<compile_context>
chip_gen: v7x
topology: tpu7x:2x2x1
jax: 0.10.2.dev20260603
libtpu: 0.0.44.dev20260713+nightly
codegen_flags: <defaults>
</compile_context>

<pallas_src>
import functools

import jax
import jax.numpy as jnp
from jax import lax
from jax.experimental import pallas as pl
from jax.experimental.pallas import tpu as pltpu
from jax.experimental.pallas import tpu_sc as plsc

_N = 1024 * 512 * 8 * 8
_ROWS = _N // 128
_SC_ROWS = _ROWS // 4
_TC_ROWS = _ROWS - _SC_ROWS
_NW = 32
_PER_W_R = _SC_ROWS // _NW
_CROWS = 64
_NBUF = 4
_NCHUNK = _PER_W_R // _CROWS
_VEC = 16
_BR = 8192


def _saf_body_tc(x_ref, p_ref, o_ref):
    x = x_ref[...]
    p = p_ref[...]
    c = jnp.where(p == 1, 0.003,
        jnp.where(p == 2, 0.001,
        jnp.where(p == 3, 0.002, 3e-06)))
    o_ref[...] = jnp.where(p == 0, x, c)


def _sc_body(x_hbm, p_hbm, o_hbm, xbuf, pbuf,
             si0, si1, si2, si3, so0, so1, so2, so3):
    in_sems = (si0, si1, si2, si3)
    out_sems = (so0, so1, so2, so3)
    wid = lax.axis_index("s") * 2 + lax.axis_index("c")
    base = _TC_ROWS + wid * _PER_W_R
    obase = wid * _PER_W_R

    def start_in(g, b):
        off = base + g * _CROWS
        pltpu.make_async_copy(
            x_hbm.at[pl.ds(off, _CROWS), :], xbuf.at[b], in_sems[b]).start()
        pltpu.make_async_copy(
            p_hbm.at[pl.ds(off, _CROWS), :], pbuf.at[b], in_sems[b]).start()

    def wait_in(b):
        pltpu.make_async_copy(
            x_hbm.at[pl.ds(0, _CROWS), :], xbuf.at[b], in_sems[b]).wait()
        pltpu.make_async_copy(
            p_hbm.at[pl.ds(0, _CROWS), :], pbuf.at[b], in_sems[b]).wait()

    def start_out(g, b):
        off = obase + g * _CROWS
        pltpu.make_async_copy(
            xbuf.at[b], o_hbm.at[pl.ds(off, _CROWS), :], out_sems[b]).start()

    def wait_out(b):
        pltpu.make_async_copy(
            xbuf.at[b], o_hbm.at[pl.ds(0, _CROWS), :], out_sems[b]).wait()

    def compute(b):
        def body(j):
            r = j // 8
            c = (j % 8) * _VEC
            x = xbuf[b, r, pl.ds(c, _VEC)]
            p = pbuf[b, r, pl.ds(c, _VEC)]
            cc = jnp.where(p == 1, 0.003,
                 jnp.where(p == 2, 0.001,
                 jnp.where(p == 3, 0.002, 3e-06)))
            xbuf[b, r, pl.ds(c, _VEC)] = jnp.where(p == 0, x, cc)
        plsc.parallel_loop(0, _CROWS * 8, 1, unroll=8)(body)

    start_in(0, 0)
    start_in(1, 1)

    def outer(i, _):
        for b in range(_NBUF):
            g = i * _NBUF + b
            wait_in(b)
            compute(b)
            start_out(g, b)

            @pl.when(g >= 1)
            def _():
                wait_out((b - 1) % _NBUF)

            @pl.when(g + 2 < _NCHUNK)
            def _():
                start_in(g + 2, (b + 2) % _NBUF)
        return 0

    lax.fori_loop(0, _NCHUNK // _NBUF, outer, 0)
    wait_out((_NCHUNK - 1) % _NBUF)


def kernel(input, mask, p_state):
    xf = (input.reshape(1024, 4, 128, 8, 8)
               .transpose(0, 3, 1, 4, 2)
               .reshape(_ROWS, 128))
    pf = (p_state.reshape(1024, 4, 128, 8, 8)
                 .transpose(0, 3, 1, 4, 2)
                 .reshape(_ROWS, 128))
    mesh = plsc.VectorSubcoreMesh(core_axis_name="c", subcore_axis_name="s")
    run = pl.kernel(
        _sc_body,
        out_type=jax.ShapeDtypeStruct((_SC_ROWS, 128), jnp.float32),
        mesh=mesh,
        scratch_types=[
            pltpu.VMEM((_NBUF, _CROWS, 128), jnp.float32),
            pltpu.VMEM((_NBUF, _CROWS, 128), jnp.int32),
        ] + [pltpu.SemaphoreType.DMA] * 8,
    )
    sc_out = run(xf, pf)

    tc_out = pl.pallas_call(
        _saf_body_tc,
        out_shape=jax.ShapeDtypeStruct((_TC_ROWS, 128), jnp.float32),
        grid=(_TC_ROWS // _BR,),
        in_specs=[
            pl.BlockSpec((_BR, 128), lambda i: (i, 0)),
            pl.BlockSpec((_BR, 128), lambda i: (i, 0)),
        ],
        out_specs=pl.BlockSpec((_BR, 128), lambda i: (i, 0)),
    )(xf, pf)
    return tc_out, sc_out

# --- scband reference (transcript-rebuilt; emitter-appended) ---
"""Pipeline reference for scband-saf-84318797955209 (READ-ONLY COPY).

The authoritative reference and input builder live on the scoring server;
editing this copy changes nothing except your own understanding.
"""

import jax, jax.numpy as jnp
import numpy as np

G_SA00 = 0.003
G_SA01 = 0.001
G_SA10 = 0.002
G_SA11 = 3e-06
FAULT_RATE = 0.05
SHAPE = (1024, 512, 8, 8)


def setup_inputs(seed: int = 0) -> dict:
    key = jax.random.key(seed)
    k1, k2, k3 = jax.random.split(key, 3)
    x = jax.random.normal(k1, SHAPE, dtype=jnp.float32)
    mask = jnp.ones(SHAPE, dtype=jnp.float32)
    # Materialize the p_state buffer exactly as dist_gen_uniform would:
    # bernoulli(fault_rate) fault map, then multinomial over equal SAF
    # probabilities [0.1, 0.1, 0.1, 0.1] -> uniform fault type in {1,2,3,4}.
    fault_map = jax.random.uniform(k2, SHAPE) < FAULT_RATE
    probs = jnp.array([0.1, 0.1, 0.1, 0.1], dtype=jnp.float32)
    fault_types = jax.random.categorical(k3, jnp.log(probs), shape=SHAPE) + 1
    p_state = jnp.where(fault_map, fault_types, 0).astype(jnp.int32)
    return {"input": x, "mask": mask, "p_state": p_state}


def reference(input, mask, p_state):
    # Inject_SAF: scatter-overwrite of stuck-at conductance values at the
    # cells indexed by p_state. mask is accepted but unused (matches torch).
    out = input
    out = jnp.where(p_state == 1, jnp.float32(G_SA00), out)
    out = jnp.where(p_state == 2, jnp.float32(G_SA01), out)
    out = jnp.where(p_state == 3, jnp.float32(G_SA10), out)
    out = jnp.where(p_state == 4, jnp.float32(G_SA11), out)
    return out

if __name__ == "__main__":
    import jax
    _d = setup_inputs()
    print(jax.jit(kernel)(*tuple(_d.values())))

</pallas_src>

<mosaic_0001>
#map = affine_map<(d0, d1) -> (0, 0)>
module attributes {stable_mosaic.version = 14 : i64} {
  func.func @_sc_body(%arg0: i32, %arg1: i32, %arg2: memref<262144x128xf32, #tpu.memory_space<hbm>>, %arg3: memref<262144x128xi32, #tpu.memory_space<hbm>>, %arg4: memref<65536x128xf32, #tpu.memory_space<hbm>>, %arg5: memref<4x64x128xf32, #tpu.memory_space<vmem>>, %arg6: memref<4x64x128xi32, #tpu.memory_space<vmem>>, %arg7: memref<!tpu.dma_semaphore, #tpu.memory_space<semaphore_mem>>, %arg8: memref<!tpu.dma_semaphore, #tpu.memory_space<semaphore_mem>>, %arg9: memref<!tpu.dma_semaphore, #tpu.memory_space<semaphore_mem>>, %arg10: memref<!tpu.dma_semaphore, #tpu.memory_space<semaphore_mem>>, %arg11: memref<!tpu.dma_semaphore, #tpu.memory_space<semaphore_mem>>, %arg12: memref<!tpu.dma_semaphore, #tpu.memory_space<semaphore_mem>>, %arg13: memref<!tpu.dma_semaphore, #tpu.memory_space<semaphore_mem>>, %arg14: memref<!tpu.dma_semaphore, #tpu.memory_space<semaphore_mem>>) attributes {dimension_semantics = [#tpu.dimension_semantics<core_parallel>, #tpu.dimension_semantics<subcore_parallel>], iteration_bounds = array<i64: 2, 16>, scalar_prefetch = 0 : i64, scratch_operands = 10 : i64, tpu.core_type = #tpu.core_type<sc_vector_subcore>, window_params = [{transform_indices = #map}, {transform_indices = #map}, {transform_indices = #map}]} {
    %mul3A = arith.constant 2 : i32
    %mul3A_0 = arith.muli %arg1, %mul3A : i32
    %add3A = arith.addi %mul3A_0, %arg0 : i32
    %mul3A_1 = arith.constant 2048 : i32
    %mul3A_2 = arith.muli %add3A, %mul3A_1 : i32
    %add3A_3 = arith.constant 196608 : i32
    %add3A_4 = arith.addi %add3A_3, %mul3A_2 : i32
    %mul3A_5 = arith.constant 2048 : i32
    %mul3A_6 = arith.muli %add3A, %mul3A_5 : i32
    %add3A_7 = arith.constant 0 : i32
    %add3A_8 = arith.addi %add3A_4, %add3A_7 : i32
    %dma_start3A = arith.constant 0 : i32
    %dma_start3A_9 = arith.constant 0 : i32
    %dma_start3A_10 = arith.constant 0 : i32
    %dma_start3A_11 = tpu.memref_slice %arg5[%dma_start3A, %dma_start3A_9, %dma_start3A_10] : memref<4x64x128xf32, #tpu.memory_space<vmem>> -> memref<1x64x128xf32, #tpu.memory_space<vmem>>
    %dma_start3A_12 = tpu.memref_squeeze %dma_start3A_11 : memref<1x64x128xf32, #tpu.memory_space<vmem>> -> memref<64x128xf32, #tpu.memory_space<vmem>>
    %dma_start3A_13 = arith.constant 0 : i32
    %dma_start3A_14 = tpu.memref_slice %arg2[%add3A_8, %dma_start3A_13] : memref<262144x128xf32, #tpu.memory_space<hbm>> -> memref<64x128xf32, #tpu.memory_space<hbm>>
    %dma_start3A_15 = arith.constant 0 : i32
    %dma_start3A_16 = arith.constant 0 : i32
    %dma_start3A_17 = tpu.memref_slice %arg5[%dma_start3A, %dma_start3A_15, %dma_start3A_16] : memref<4x64x128xf32, #tpu.memory_space<vmem>> -> memref<1x64x128xf32, #tpu.memory_space<vmem>>
    %dma_start3A_18 = tpu.memref_squeeze %dma_start3A_17 : memref<1x64x128xf32, #tpu.memory_space<vmem>> -> memref<64x128xf32, #tpu.memory_space<vmem>>
    %dma_start3A_19 = arith.constant 0 : i32
    %dma_start3A_20 = tpu.memref_slice %arg2[%add3A_8, %dma_start3A_19] : memref<262144x128xf32, #tpu.memory_space<hbm>> -> memref<64x128xf32, #tpu.memory_space<hbm>>
    tpu.enqueue_dma source(%dma_start3A_20 : memref<64x128xf32, #tpu.memory_space<hbm>>) target(%dma_start3A_18 : memref<64x128xf32, #tpu.memory_space<vmem>>) target_semaphore(%arg7 : memref<!tpu.dma_semaphore, #tpu.memory_space<semaphore_mem>>)
    %dma_start3A_21 = arith.constant 0 : i32
    %dma_start3A_22 = arith.constant 0 : i32
    %dma_start3A_23 = arith.constant 0 : i32
    %dma_start3A_24 = tpu.memref_slice %arg6[%dma_start3A_21, %dma_start3A_22, %dma_start3A_23] : memref<4x64x128xi32, #tpu.memory_space<vmem>> -> memref<1x64x128xi32, #tpu.memory_space<vmem>>
    %dma_start3A_25 = tpu.memref_squeeze %dma_start3A_24 : memref<1x64x128xi32, #tpu.memory_space<vmem>> -> memref<64x128xi32, #tpu.memory_space<vmem>>
    %dma_start3A_26 = arith.constant 0 : i32
    %dma_start3A_27 = tpu.memref_slice %arg3[%add3A_8, %dma_start3A_26] : memref<262144x128xi32, #tpu.memory_space<hbm>> -> memref<64x128xi32, #tpu.memory_space<hbm>>
    %dma_start3A_28 = arith.constant 0 : i32
    %dma_start3A_29 = arith.constant 0 : i32
    %dma_start3A_30 = tpu.memref_slice %arg6[%dma_start3A_21, %dma_start3A_28, %dma_start3A_29] : memref<4x64x128xi32, #tpu.memory_space<vmem>> -> memref<1x64x128xi32, #tpu.memory_space<vmem>>
    %dma_start3A_31 = tpu.memref_squeeze %dma_start3A_30 : memref<1x64x128xi32, #tpu.memory_space<vmem>> -> memref<64x128xi32, #tpu.memory_space<vmem>>
    %dma_start3A_32 = arith.constant 0 : i32
    %dma_start3A_33 = tpu.memref_slice %arg3[%add3A_8, %dma_start3A_32] : memref<262144x128xi32, #tpu.memory_space<hbm>> -> memref<64x128xi32, #tpu.memory_space<hbm>>
    tpu.enqueue_dma source(%dma_start3A_33 : memref<64x128xi32, #tpu.memory_space<hbm>>) target(%dma_start3A_31 : memref<64x128xi32, #tpu.memory_space<vmem>>) target_semaphore(%arg7 : memref<!tpu.dma_semaphore, #tpu.memory_space<semaphore_mem>>)
    %add3A_34 = arith.constant 64 : i32
    %add3A_35 = arith.addi %add3A_4, %add3A_34 : i32
    %dma_start3A_36 = arith.constant 1 : i32
    %dma_start3A_37 = arith.constant 0 : i32
    %dma_start3A_38 = arith.constant 0 : i32
    %dma_start3A_39 = tpu.memref_slice %arg5[%dma_start3A_36, %dma_start3A_37, %dma_start3A_38] : memref<4x64x128xf32, #tpu.memory_space<vmem>> -> memref<1x64x128xf32, #tpu.memory_space<vmem>>
    %dma_start3A_40 = tpu.memref_squeeze %dma_start3A_39 : memref<1x64x128xf32, #tpu.memory_space<vmem>> -> memref<64x128xf32, #tpu.memory_space<vmem>>
    %dma_start3A_41 = arith.constant 0 : i32
    %dma_start3A_42 = tpu.memref_slice %arg2[%add3A_35, %dma_start3A_41] : memref<262144x128xf32, #tpu.memory_space<hbm>> -> memref<64x128xf32, #tpu.memory_space<hbm>>
    %dma_start3A_43 = arith.constant 0 : i32
    %dma_start3A_44 = arith.constant 0 : i32
    %dma_start3A_45 = tpu.memref_slice %arg5[%dma_start3A_36, %dma_start3A_43, %dma_start3A_44] : memref<4x64x128xf32, #tpu.memory_space<vmem>> -> memref<1x64x128xf32, #tpu.memory_space<vmem>>
    %dma_start3A_46 = tpu.memref_squeeze %dma_start3A_45 : memref<1x64x128xf32, #tpu.memory_space<vmem>> -> memref<64x128xf32, #tpu.memory_space<vmem>>
    %dma_start3A_47 = arith.constant 0 : i32
    %dma_start3A_48 = tpu.memref_slice %arg2[%add3A_35, %dma_start3A_47] : memref<262144x128xf32, #tpu.memory_space<hbm>> -> memref<64x128xf32, #tpu.memory_space<hbm>>
    tpu.enqueue_dma source(%dma_start3A_48 : memref<64x128xf32, #tpu.memory_space<hbm>>) target(%dma_start3A_46 : memref<64x128xf32, #tpu.memory_space<vmem>>) target_semaphore(%arg8 : memref<!tpu.dma_semaphore, #tpu.memory_space<semaphore_mem>>)
    %dma_start3A_49 = arith.constant 1 : i32
    %dma_start3A_50 = arith.constant 0 : i32
    %dma_start3A_51 = arith.constant 0 : i32
    %dma_start3A_52 = tpu.memref_slice %arg6[%dma_start3A_49, %dma_start3A_50, %dma_start3A_51] : memref<4x64x128xi32, #tpu.memory_space<vmem>> -> memref<1x64x128xi32, #tpu.memory_space<vmem>>
    %dma_start3A_53 = tpu.memref_squeeze %dma_start3A_52 : memref<1x64x128xi32, #tpu.memory_space<vmem>> -> memref<64x128xi32, #tpu.memory_space<vmem>>
    %dma_start3A_54 = arith.constant 0 : i32
    %dma_start3A_55 = tpu.memref_slice %arg3[%add3A_35, %dma_start3A_54] : memref<262144x128xi32, #tpu.memory_space<hbm>> -> memref<64x128xi32, #tpu.memory_space<hbm>>
    %dma_start3A_56 = arith.constant 0 : i32
    %dma_start3A_57 = arith.constant 0 : i32
    %dma_start3A_58 = tpu.memref_slice %arg6[%dma_start3A_49, %dma_start3A_56, %dma_start3A_57] : memref<4x64x128xi32, #tpu.memory_space<vmem>> -> memref<1x64x128xi32, #tpu.memory_space<vmem>>
    %dma_start3A_59 = tpu.memref_squeeze %dma_start3A_58 : memref<1x64x128xi32, #tpu.memory_space<vmem>> -> memref<64x128xi32, #tpu.memory_space<vmem>>
    %dma_start3A_60 = arith.constant 0 : i32
    %dma_start3A_61 = tpu.memref_slice %arg3[%add3A_35, %dma_start3A_60] : memref<262144x128xi32, #tpu.memory_space<hbm>> -> memref<64x128xi32, #tpu.memory_space<hbm>>
    tpu.enqueue_dma source(%dma_start3A_61 : memref<64x128xi32, #tpu.memory_space<hbm>>) target(%dma_start3A_59 : memref<64x128xi32, #tpu.memory_space<vmem>>) target_semaphore(%arg8 : memref<!tpu.dma_semaphore, #tpu.memory_space<semaphore_mem>>)
    %scan3A = arith.constant 0 : i32
    %scan3A_62 = arith.constant 0 : i32
    %scan3A_63 = arith.constant 8 : i32
    %scan3A_64 = arith.addi %scan3A_62, %scan3A_63 : i32
    %scan3A_65 = arith.constant 1 : i32
    %scan3A_66 = scf.for %scan3A_82 = %scan3A_62 to %scan3A_64 step %scan3A_65 iter_args(%scan3A_83 = %scan3A) -> (i32)  : i32 {
      %mul3A_84 = arith.constant 4 : i32
      %mul3A_85 = arith.muli %scan3A_82, %mul3A_84 : i32
      %add3A_86 = arith.constant 0 : i32
      %add3A_87 = arith.addi %mul3A_85, %add3A_86 : i32
      %dma_wait3A_88 = arith.constant 0 : i32
      %dma_wait3A_89 = arith.constant 0 : i32
      %dma_wait3A_90 = arith.constant 0 : i32
      %dma_wait3A_91 = tpu.memref_slice %arg5[%dma_wait3A_88, %dma_wait3A_89, %dma_wait3A_90] : memref<4x64x128xf32, #tpu.memory_space<vmem>> -> memref<1x64x128xf32, #tpu.memory_space<vmem>>
      %dma_wait3A_92 = tpu.memref_squeeze %dma_wait3A_91 : memref<1x64x128xf32, #tpu.memory_space<vmem>> -> memref<64x128xf32, #tpu.memory_space<vmem>>
      %dma_wait3A_93 = arith.constant 0 : i32
      %dma_wait3A_94 = arith.constant 0 : i32
      %dma_wait3A_95 = tpu.memref_slice %arg2[%dma_wait3A_93, %dma_wait3A_94] : memref<262144x128xf32, #tpu.memory_space<hbm>> -> memref<64x128xf32, #tpu.memory_space<hbm>>
      %dma_wait3A_96 = arith.constant 0 : i32
      %dma_wait3A_97 = arith.constant 0 : i32
      %dma_wait3A_98 = tpu.memref_slice %arg5[%dma_wait3A_88, %dma_wait3A_96, %dma_wait3A_97] : memref<4x64x128xf32, #tpu.memory_space<vmem>> -> memref<1x64x128xf32, #tpu.memory_space<vmem>>
      %dma_wait3A_99 = tpu.memref_squeeze %dma_wait3A_98 : memref<1x64x128xf32, #tpu.memory_space<vmem>> -> memref<64x128xf32, #tpu.memory_space<vmem>>
      %dma_wait3A_100 = arith.constant 0 : i32
      %dma_wait3A_101 = arith.constant 0 : i32
      %dma_wait3A_102 = tpu.memref_slice %arg2[%dma_wait3A_100, %dma_wait3A_101] : memref<262144x128xf32, #tpu.memory_space<hbm>> -> memref<64x128xf32, #tpu.memory_space<hbm>>
      tpu.wait_dma2 semaphore(%arg7 : memref<!tpu.dma_semaphore, #tpu.memory_space<semaphore_mem>>) src(%dma_wait3A_102 : memref<64x128xf32, #tpu.memory_space<hbm>>) dst(%dma_wait3A_99 : memref<64x128xf32, #tpu.memory_space<vmem>>)
      %dma_wait3A_103 = arith.constant 0 : i32
      %dma_wait3A_104 = arith.constant 0 : i32
      %dma_wait3A_105 = arith.constant 0 : i32
      %dma_wait3A_106 = tpu.memref_slice %arg6[%dma_wait3A_103, %dma_wait3A_104, %dma_wait3A_105] : memref<4x64x128xi32, #tpu.memory_space<vmem>> -> memref<1x64x128xi32, #tpu.memory_space<vmem>>
      %dma_wait3A_107 = tpu.memref_squeeze %dma_wait3A_106 : memref<1x64x128xi32, #tpu.memory_space<vmem>> -> memref<64x128xi32, #tpu.memory_space<vmem>>
      %dma_wait3A_108 = arith.constant 0 : i32
      %dma_wait3A_109 = arith.constant 0 : i32
      %dma_wait3A_110 = tpu.memref_slice %arg3[%dma_wait3A_108, %dma_wait3A_109] : memref<262144x128xi32, #tpu.memory_space<hbm>> -> memref<64x128xi32, #tpu.memory_space<hbm>>
      %dma_wait3A_111 = arith.constant 0 : i32
      %dma_wait3A_112 = arith.constant 0 : i32
      %dma_wait3A_113 = tpu.memref_slice %arg6[%dma_wait3A_103, %dma_wait3A_111, %dma_wait3A_112] : memref<4x64x128xi32, #tpu.memory_space<vmem>> -> memref<1x64x128xi32, #tpu.memory_space<vmem>>
      %dma_wait3A_114 = tpu.memref_squeeze %dma_wait3A_113 : memref<1x64x128xi32, #tpu.memory_space<vmem>> -> memref<64x128xi32, #tpu.memory_space<vmem>>
      %dma_wait3A_115 = arith.constant 0 : i32
      %dma_wait3A_116 = arith.constant 0 : i32
      %dma_wait3A_117 = tpu.memref_slice %arg3[%dma_wait3A_115, %dma_wait3A_116] : memref<262144x128xi32, #tpu.memory_space<hbm>> -> memref<64x128xi32, #tpu.memory_space<hbm>>
      tpu.wait_dma2 semaphore(%arg7 : memref<!tpu.dma_semaphore, #tpu.memory_space<semaphore_mem>>) src(%dma_wait3A_117 : memref<64x128xi32, #tpu.memory_space<hbm>>) dst(%dma_wait3A_114 : memref<64x128xi32, #tpu.memory_space<vmem>>)
      %parallel_loop3A = arith.constant 0 : i32
      %parallel_loop3A_118 = arith.constant 512 : i32
      %parallel_loop3A_119 = arith.constant 1 : i32
      scf.for %parallel_loop3A_340 = %parallel_loop3A to %parallel_loop3A_118 step %parallel_loop3A_119  : i32 {
        %parallel_loop3A_341 = arith.constant 8 : i32
        %parallel_loop3A_342 = arith.divsi %parallel_loop3A_340, %parallel_loop3A_341 : i32
        %parallel_loop3A_343 = arith.constant 0 : i32
        %parallel_loop3A_344 = arith.cmpi sgt, %parallel_loop3A_340, %parallel_loop3A_343 : i32
        %parallel_loop3A_345 = arith.extui %parallel_loop3A_344 : i1 to i32
        %parallel_loop3A_346 = arith.constant 0 : i32
        %parallel_loop3A_347 = arith.cmpi slt, %parallel_loop3A_340, %parallel_loop3A_346 : i32
        %parallel_loop3A_348 = arith.extui %parallel_loop3A_347 : i1 to i32
        %parallel_loop3A_349 = arith.subi %parallel_loop3A_345, %parallel_loop3A_348 : i32
        %parallel_loop3A_350 = arith.constant 0 : i32
        %parallel_loop3A_351 = arith.cmpi sgt, %parallel_loop3A_341, %parallel_loop3A_350 : i32
        %parallel_loop3A_352 = arith.extui %parallel_loop3A_351 : i1 to i32
        %parallel_loop3A_353 = arith.constant 0 : i32
        %parallel_loop3A_354 = arith.cmpi slt, %parallel_loop3A_341, %parallel_loop3A_353 : i32
        %parallel_loop3A_355 = arith.extui %parallel_loop3A_354 : i1 to i32
        %parallel_loop3A_356 = arith.subi %parallel_loop3A_352, %parallel_loop3A_355 : i32
        %parallel_loop3A_357 = arith.cmpi ne, %parallel_loop3A_349, %parallel_loop3A_356 : i32
        %parallel_loop3A_358 = arith.remsi %parallel_loop3A_340, %parallel_loop3A_341 : i32
        %parallel_loop3A_359 = arith.constant 0 : i32
        %parallel_loop3A_360 = arith.cmpi ne, %parallel_loop3A_358, %parallel_loop3A_359 : i32
        %parallel_loop3A_361 = arith.andi %parallel_loop3A_357, %parallel_loop3A_360 : i1
        %parallel_loop3A_362 = arith.constant 1 : i32
        %parallel_loop3A_363 = arith.subi %parallel_loop3A_342, %parallel_loop3A_362 : i32
        %parallel_loop3A_364 = arith.select %parallel_loop3A_361, %parallel_loop3A_363, %parallel_loop3A_342 : i32
        %parallel_loop3A_365 = arith.constant 8 : i32
        %parallel_loop3A_366 = arith.constant 0 : i32
        %parallel_loop3A_367 = arith.cmpi eq, %parallel_loop3A_365, %parallel_loop3A_366 : i32
        %parallel_loop3A_368 = arith.constant 1 : i32
        %parallel_loop3A_369 = arith.select %parallel_loop3A_367, %parallel_loop3A_368, %parallel_loop3A_365 : i32
        %parallel_loop3A_370 = arith.remsi %parallel_loop3A_340, %parallel_loop3A_369 : i32
        %parallel_loop3A_371 = arith.constant 0 : i32
        %parallel_loop3A_372 = arith.cmpi ne, %parallel_loop3A_370, %parallel_loop3A_371 : i32
        %parallel_loop3A_373 = arith.constant 0 : i32
        %parallel_loop3A_374 = arith.cmpi slt, %parallel_loop3A_370, %parallel_loop3A_373 : i32
        %parallel_loop3A_375 = arith.constant 0 : i32
        %parallel_loop3A_376 = arith.cmpi slt, %parallel_loop3A_369, %parallel_loop3A_375 : i32
        %parallel_loop3A_377 = arith.xori %parallel_loop3A_374, %parallel_loop3A_376 : i1
        %parallel_loop3A_378 = arith.andi %parallel_loop3A_377, %parallel_loop3A_372 : i1
        %parallel_loop3A_379 = arith.addi %parallel_loop3A_370, %parallel_loop3A_369 : i32
        %parallel_loop3A_380 = arith.select %parallel_loop3A_378, %parallel_loop3A_379, %parallel_loop3A_370 : i32
        %parallel_loop3A_381 = arith.constant 16 : i32
        %parallel_loop3A_382 = arith.muli %parallel_loop3A_380, %parallel_loop3A_381 : i32
        %parallel_loop3A_383 = arith.constant 0 : i32
        %parallel_loop3A_384 = arith.index_cast %parallel_loop3A_383 : i32 to index
        %parallel_loop3A_385 = arith.index_cast %parallel_loop3A_364 : i32 to index
        %parallel_loop3A_386 = arith.index_cast %parallel_loop3A_382 : i32 to index
        %parallel_loop3A_387 = tpu.vector_load %arg5[%parallel_loop3A_384, %parallel_loop3A_385, %parallel_loop3A_386] {strides = array<i32>} : memref<4x64x128xf32, #tpu.memory_space<vmem>>, vector<1x1x16xf32>,
        %parallel_loop3A_388 = vector.shape_cast %parallel_loop3A_387 : vector<1x1x16xf32> to vector<16xf32>
        %parallel_loop3A_389 = arith.constant 0 : i32
        %parallel_loop3A_390 = arith.index_cast %parallel_loop3A_389 : i32 to index
        %parallel_loop3A_391 = arith.index_cast %parallel_loop3A_364 : i32 to index
        %parallel_loop3A_392 = arith.index_cast %parallel_loop3A_382 : i32 to index
        %parallel_loop3A_393 = tpu.vector_load %arg6[%parallel_loop3A_390, %parallel_loop3A_391, %parallel_loop3A_392] {strides = array<i32>} : memref<4x64x128xi32, #tpu.memory_space<vmem>>, vector<1x1x16xi32>,
        %parallel_loop3A_394 = vector.shape_cast %parallel_loop3A_393 : vector<1x1x16xi32> to vector<16xi32>
        %parallel_loop3A_395 = arith.constant 1 : i32
        %parallel_loop3A_396 = vector.broadcast %parallel_loop3A_395 : i32 to vector<16xi32>
        %parallel_loop3A_397 = arith.cmpi eq, %parallel_loop3A_394, %parallel_loop3A_396 : vector<16xi32>
        %parallel_loop3A_398 = arith.constant 2 : i32
        %parallel_loop3A_399 = vector.broadcast %parallel_loop3A_398 : i32 to vector<16xi32>
        %parallel_loop3A_400 = arith.cmpi eq, %parallel_loop3A_394, %parallel_loop3A_399 : vector<16xi32>
        %parallel_loop3A_401 = arith.constant 3 : i32
        %parallel_loop3A_402 = vector.broadcast %parallel_loop3A_401 : i32 to vector<16xi32>
        %parallel_loop3A_403 = arith.cmpi eq, %parallel_loop3A_394, %parallel_loop3A_402 : vector<16xi32>
        %parallel_loop3A_404 = arith.constant 2.000000e-03 : f32
        %parallel_loop3A_405 = arith.constant 3.000000e-06 : f32
        %parallel_loop3A_406 = vector.broadcast %parallel_loop3A_404 : f32 to vector<16xf32>
        %parallel_loop3A_407 = vector.broadcast %parallel_loop3A_405 : f32 to vector<16xf32>
        %parallel_loop3A_408 = arith.select %parallel_loop3A_403, %parallel_loop3A_406, %parallel_loop3A_407 : vector<16xi1>, vector<16xf32>
        %parallel_loop3A_409 = arith.constant 1.000000e-03 : f32
        %parallel_loop3A_410 = vector.broadcast %parallel_loop3A_409 : f32 to vector<16xf32>
        %parallel_loop3A_411 = arith.select %parallel_loop3A_400, %parallel_loop3A_410, %parallel_loop3A_408 : vector<16xi1>, vector<16xf32>
        %parallel_loop3A_412 = arith.constant 3.000000e-03 : f32
        %parallel_loop3A_413 = vector.broadcast %parallel_loop3A_412 : f32 to vector<16xf32>
        %parallel_loop3A_414 = arith.select %parallel_loop3A_397, %parallel_loop3A_413, %parallel_loop3A_411 : vector<16xi1>, vector<16xf32>
        %parallel_loop3A_415 = arith.constant 0 : i32
        %parallel_loop3A_416 = vector.broadcast %parallel_loop3A_415 : i32 to vector<16xi32>
        %parallel_loop3A_417 = arith.cmpi eq, %parallel_loop3A_394, %parallel_loop3A_416 : vector<16xi32>
        %parallel_loop3A_418 = arith.select %parallel_loop3A_417, %parallel_loop3A_388, %parallel_loop3A_414 : vector<16xi1>, vector<16xf32>
        %parallel_loop3A_419 = arith.constant 0 : i32
        %parallel_loop3A_420 = arith.index_cast %parallel_loop3A_419 : i32 to index
        %parallel_loop3A_421 = arith.index_cast %parallel_loop3A_364 : i32 to index
        %parallel_loop3A_422 = arith.index_cast %parallel_loop3A_382 : i32 to index
        %parallel_loop3A_423 = tpu.vector_load %arg5[%parallel_loop3A_420, %parallel_loop3A_421, %parallel_loop3A_422] {strides = array<i32>} : memref<4x64x128xf32, #tpu.memory_space<vmem>>, vector<1x1x16xf32>,
        %parallel_loop3A_424 = vector.shape_cast %parallel_loop3A_423 : vector<1x1x16xf32> to vector<16xf32>
        %parallel_loop3A_425 = vector.shape_cast %parallel_loop3A_418 : vector<16xf32> to vector<1x1x16xf32>
        tpu.vector_store %arg5[%parallel_loop3A_420, %parallel_loop3A_421, %parallel_loop3A_422], %parallel_loop3A_425 {strides = array<i32>} : memref<4x64x128xf32, #tpu.memory_space<vmem>>, vector<1x1x16xf32>,
      } {sc.loop_unroll_factor = 8 : i64, sc.parallel_access}
      %mul3A_120 = arith.constant 64 : i32
      %mul3A_121 = arith.muli %add3A_87, %mul3A_120 : i32
      %add3A_122 = arith.addi %mul3A_6, %mul3A_121 : i32
      %dma_start3A_123 = arith.constant 0 : i32
      %dma_start3A_124 = arith.constant 0 : i32
      %dma_start3A_125 = arith.constant 0 : i32
      %dma_start3A_126 = tpu.memref_slice %arg5[%dma_start3A_123, %dma_start3A_124, %dma_start3A_125] : memref<4x64x128xf32, #tpu.memory_space<vmem>> -> memref<1x64x128xf32, #tpu.memory_space<vmem>>
      %dma_start3A_127 = tpu.memref_squeeze %dma_start3A_126 : memref<1x64x128xf32, #tpu.memory_space<vmem>> -> memref<64x128xf32, #tpu.memory_space<vmem>>
      %dma_start3A_128 = arith.constant 0 : i32
      %dma_start3A_129 = tpu.memref_slice %arg4[%add3A_122, %dma_start3A_128] : memref<65536x128xf32, #tpu.memory_space<hbm>> -> memref<64x128xf32, #tpu.memory_space<hbm>>
      %dma_start3A_130 = arith.constant 0 : i32
      %dma_start3A_131 = tpu.memref_slice %arg4[%add3A_122, %dma_start3A_130] : memref<65536x128xf32, #tpu.memory_space<hbm>> -> memref<64x128xf32, #tpu.memory_space<hbm>>
      %dma_start3A_132 = arith.constant 0 : i32
      %dma_start3A_133 = arith.constant 0 : i32
      %dma_start3A_134 = tpu.memref_slice %arg5[%dma_start3A_123, %dma_start3A_132, %dma_start3A_133] : memref<4x64x128xf32, #tpu.memory_space<vmem>> -> memref<1x64x128xf32, #tpu.memory_space<vmem>>
      %dma_start3A_135 = tpu.memref_squeeze %dma_start3A_134 : memref<1x64x128xf32, #tpu.memory_space<vmem>> -> memref<64x128xf32, #tpu.memory_space<vmem>>
      tpu.enqueue_dma source(%dma_start3A_135 : memref<64x128xf32, #tpu.memory_space<vmem>>) target(%dma_start3A_131 : memref<64x128xf32, #tpu.memory_space<hbm>>) target_semaphore(%arg11 : memref<!tpu.dma_semaphore, #tpu.memory_space<semaphore_mem>>)
      %ge3A = arith.constant 1 : i32
      %ge3A_136 = arith.cmpi sge, %add3A_87, %ge3A : i32
      %convert_element_type3A = arith.extui %ge3A_136 : i1 to i32
      %cond3A = arith.constant 0 : i32
      %cond3A_137 = arith.cmpi ne, %convert_element_type3A, %cond3A : i32
      scf.if %cond3A_137 {
        %dma_wait3A_340 = arith.constant 3 : i32
        %dma_wait3A_341 = arith.constant 0 : i32
        %dma_wait3A_342 = arith.constant 0 : i32
        %dma_wait3A_343 = tpu.memref_slice %arg5[%dma_wait3A_340, %dma_wait3A_341, %dma_wait3A_342] : memref<4x64x128xf32, #tpu.memory_space<vmem>> -> memref<1x64x128xf32, #tpu.memory_space<vmem>>
        %dma_wait3A_344 = tpu.memref_squeeze %dma_wait3A_343 : memref<1x64x128xf32, #tpu.memory_space<vmem>> -> memref<64x128xf32, #tpu.memory_space<vmem>>
        %dma_wait3A_345 = arith.constant 0 : i32
        %dma_wait3A_346 = arith.constant 0 : i32
        %dma_wait3A_347 = tpu.memref_slice %arg4[%dma_wait3A_345, %dma_wait3A_346] : memref<65536x128xf32, #tpu.memory_space<hbm>> -> memref<64x128xf32, #tpu.memory_space<hbm>>
        %dma_wait3A_348 = arith.constant 0 : i32
        %dma_wait3A_349 = arith.constant 0 : i32
        %dma_wait3A_350 = tpu.memref_slice %arg4[%dma_wait3A_348, %dma_wait3A_349] : memref<65536x128xf32, #tpu.memory_space<hbm>> -> memref<64x128xf32, #tpu.memory_space<hbm>>
        %dma_wait3A_351 = arith.constant 0 : i32
        %dma_wait3A_352 = arith.constant 0 : i32
        %dma_wait3A_353 = tpu.memref_slice %arg5[%dma_wait3A_340, %dma_wait3A_351, %dma_wait3A_352] : memref<4x64x128xf32, #tpu.memory_space<vmem>> -> memref<1x64x128xf32, #tpu.memory_space<vmem>>
        %dma_wait3A_354 = tpu.memref_squeeze %dma_wait3A_353 : memref<1x64x128xf32, #tpu.memory_space<vmem>> -> memref<64x128xf32, #tpu.memory_space<vmem>>
        tpu.wait_dma2 semaphore(%arg14 : memref<!tpu.dma_semaphore, #tpu.memory_space<semaphore_mem>>) src(%dma_wait3A_354 : memref<64x128xf32, #tpu.memory_space<vmem>>) dst(%dma_wait3A_350 : memref<64x128xf32, #tpu.memory_space<hbm>>)
      } else {
      }
      %add3A_138 = arith.constant 2 : i32
      %add3A_139 = arith.addi %add3A_87, %add3A_138 : i32
      %lt3A = arith.constant 32 : i32
      %lt3A_140 = arith.cmpi slt, %add3A_139, %lt3A : i32
      %convert_element_type3A_141 = arith.extui %lt3A_140 : i1 to i32
      %cond3A_142 = arith.constant 0 : i32
      %cond3A_143 = arith.cmpi ne, %convert_element_type3A_141, %cond3A_142 : i32
      scf.if %cond3A_143 {
        %add3A_340 = arith.constant 2 : i32
        %add3A_341 = arith.addi %add3A_87, %add3A_340 : i32
        %mul3A_342 = arith.constant 64 : i32
        %mul3A_343 = arith.muli %add3A_341, %mul3A_342 : i32
        %add3A_344 = arith.addi %add3A_4, %mul3A_343 : i32
        %dma_start3A_345 = arith.constant 2 : i32
        %dma_start3A_346 = arith.constant 0 : i32
        %dma_start3A_347 = arith.constant 0 : i32
        %dma_start3A_348 = tpu.memref_slice %arg5[%dma_start3A_345, %dma_start3A_346, %dma_start3A_347] : memref<4x64x128xf32, #tpu.memory_space<vmem>> -> memref<1x64x128xf32, #tpu.memory_space<vmem>>
        %dma_start3A_349 = tpu.memref_squeeze %dma_start3A_348 : memref<1x64x128xf32, #tpu.memory_space<vmem>> -> memref<64x128xf32, #tpu.memory_space<vmem>>
        %dma_start3A_350 = arith.constant 0 : i32
        %dma_start3A_351 = tpu.memref_slice %arg2[%add3A_344, %dma_start3A_350] : memref<262144x128xf32, #tpu.memory_space<hbm>> -> memref<64x128xf32, #tpu.memory_space<hbm>>
        %dma_start3A_352 = arith.constant 0 : i32
        %dma_start3A_353 = arith.constant 0 : i32
        %dma_start3A_354 = tpu.memref_slice %arg5[%dma_start3A_345, %dma_start3A_352, %dma_start3A_353] : memref<4x64x128xf32, #tpu.memory_space<vmem>> -> memref<1x64x128xf32, #tpu.memory_space<vmem>>
        %dma_start3A_355 = tpu.memref_squeeze %dma_start3A_354 : memref<1x64x128xf32, #tpu.memory_space<vmem>> -> memref<64x128xf32, #tpu.memory_space<vmem>>
        %dma_start3A_356 = arith.constant 0 : i32
        %dma_start3A_357 = tpu.memref_slice %arg2[%add3A_344, %dma_start3A_356] : memref<262144x128xf32, #tpu.memory_space<hbm>> -> memref<64x128xf32, #tpu.memory_space<hbm>>
        tpu.enqueue_dma source(%dma_start3A_357 : memref<64x128xf32, #tpu.memory_space<hbm>>) target(%dma_start3A_355 : memref<64x128xf32, #tpu.memory_space<vmem>>) target_semaphore(%arg9 : memref<!tpu.dma_semaphore, #tpu.memory_space<semaphore_mem>>)
        %dma_start3A_358 = arith.constant 2 : i32
        %dma_start3A_359 = arith.constant 0 : i32
        %dma_start3A_360 = arith.constant 0 : i32
        %dma_start3A_361 = tpu.memref_slice %arg6[%dma_start3A_358, %dma_start3A_359, %dma_start3A_360] : memref<4x64x128xi32, #tpu.memory_space<vmem>> -> memref<1x64x128xi32, #tpu.memory_space<vmem>>
        %dma_start3A_362 = tpu.memref_squeeze %dma_start3A_361 : memref<1x64x128xi32, #tpu.memory_space<vmem>> -> memref<64x128xi32, #tpu.memory_space<vmem>>
        %dma_start3A_363 = arith.constant 0 : i32
        %dma_start3A_364 = tpu.memref_slice %arg3[%add3A_344, %dma_start3A_363] : memref<262144x128xi32, #tpu.memory_space<hbm>> -> memref<64x128xi32, #tpu.memory_space<hbm>>
        %dma_start3A_365 = arith.constant 0 : i32
        %dma_start3A_366 = arith.constant 0 : i32
        %dma_start3A_367 = tpu.memref_slice %arg6[%dma_start3A_358, %dma_start3A_365, %dma_start3A_366] : memref<4x64x128xi32, #tpu.memory_space<vmem>> -> memref<1x64x128xi32, #tpu.memory_space<vmem>>
        %dma_start3A_368 = tpu.memref_squeeze %dma_start3A_367 : memref<1x64x128xi32, #tpu.memory_space<vmem>> -> memref<64x128xi32, #tpu.memory_space<vmem>>
        %dma_start3A_369 = arith.constant 0 : i32
        %dma_start3A_370 = tpu.memref_slice %arg3[%add3A_344, %dma_start3A_369] : memref<262144x128xi32, #tpu.memory_space<hbm>> -> memref<64x128xi32, #tpu.memory_space<hbm>>
        tpu.enqueue_dma source(%dma_start3A_370 : memref<64x128xi32, #tpu.memory_space<hbm>>) target(%dma_start3A_368 : memref<64x128xi32, #tpu.memory_space<vmem>>) target_semaphore(%arg9 : memref<!tpu.dma_semaphore, #tpu.memory_space<semaphore_mem>>)
      } else {
      }
      %mul3A_144 = arith.constant 4 : i32
      %mul3A_145 = arith.muli %scan3A_82, %mul3A_144 : i32
      %add3A_146 = arith.constant 1 : i32
      %add3A_147 = arith.addi %mul3A_145, %add3A_146 : i32
      %dma_wait3A_148 = arith.constant 1 : i32
      %dma_wait3A_149 = arith.constant 0 : i32
      %dma_wait3A_150 = arith.constant 0 : i32
      %dma_wait3A_151 = tpu.memref_slice %arg5[%dma_wait3A_148, %dma_wait3A_149, %dma_wait3A_150] : memref<4x64x128xf32, #tpu.memory_space<vmem>> -> memref<1x64x128xf32, #tpu.memory_space<vmem>>
      %dma_wait3A_152 = tpu.memref_squeeze %dma_wait3A_151 : memref<1x64x128xf32, #tpu.memory_space<vmem>> -> memref<64x128xf32, #tpu.memory_space<vmem>>
      %dma_wait3A_153 = arith.constant 0 : i32
      %dma_wait3A_154 = arith.constant 0 : i32
      %dma_wait3A_155 = tpu.memref_slice %arg2[%dma_wait3A_153, %dma_wait3A_154] : memref<262144x128xf32, #tpu.memory_space<hbm>> -> memref<64x128xf32, #tpu.memory_space<hbm>>
      %dma_wait3A_156 = arith.constant 0 : i32
      %dma_wait3A_157 = arith.constant 0 : i32
      %dma_wait3A_158 = tpu.memref_slice %arg5[%dma_wait3A_148, %dma_wait3A_156, %dma_wait3A_157] : memref<4x64x128xf32, #tpu.memory_space<vmem>> -> memref<1x64x128xf32, #tpu.memory_space<vmem>>
      %dma_wait3A_159 = tpu.memref_squeeze %dma_wait3A_158 : memref<1x64x128xf32, #tpu.memory_space<vmem>> -> memref<64x128xf32, #tpu.memory_space<vmem>>
      %dma_wait3A_160 = arith.constant 0 : i32
      %dma_wait3A_161 = arith.constant 0 : i32
      %dma_wait3A_162 = tpu.memref_slice %arg2[%dma_wait3A_160, %dma_wait3A_161] : memref<262144x128xf32, #tpu.memory_space<hbm>> -> memref<64x128xf32, #tpu.memory_space<hbm>>
      tpu.wait_dma2 semaphore(%arg8 : memref<!tpu.dma_semaphore, #tpu.memory_space<semaphore_mem>>) src(%dma_wait3A_162 : memref<64x128xf32, #tpu.memory_space<hbm>>) dst(%dma_wait3A_159 : memref<64x128xf32, #tpu.memory_space<vmem>>)
      %dma_wait3A_163 = arith.constant 1 : i32
      %dma_wait3A_164 = arith.constant 0 : i32
      %dma_wait3A_165 = arith.constant 0 : i32
      %dma_wait3A_166 = tpu.memref_slice %arg6[%dma_wait3A_163, %dma_wait3A_164, %dma_wait3A_165] : memref<4x64x128xi32, #tpu.memory_space<vmem>> -> memref<1x64x128xi32, #tpu.memory_space<vmem>>
      %dma_wait3A_167 = tpu.memref_squeeze %dma_wait3A_166 : memref<1x64x128xi32, #tpu.memory_space<vmem>> -> memref<64x128xi32, #tpu.memory_space<vmem>>
      %dma_wait3A_168 = arith.constant 0 : i32
      %dma_wait3A_169 = arith.constant 0 : i32
      %dma_wait3A_170 = tpu.memref_slice %arg3[%dma_wait3A_168, %dma_wait3A_169] : memref<262144x128xi32, #tpu.memory_space<hbm>> -> memref<64x128xi32, #tpu.memory_space<hbm>>
      %dma_wait3A_171 = arith.constant 0 : i32
      %dma_wait3A_172 = arith.constant 0 : i32
      %dma_wait3A_173 = tpu.memref_slice %arg6[%dma_wait3A_163, %dma_wait3A_171, %dma_wait3A_172] : memref<4x64x128xi32, #tpu.memory_space<vmem>> -> memref<1x64x128xi32, #tpu.memory_space<vmem>>
      %dma_wait3A_174 = tpu.memref_squeeze %dma_wait3A_173 : memref<1x64x128xi32, #tpu.memory_space<vmem>> -> memref<64x128xi32, #tpu.memory_space<vmem>>
      %dma_wait3A_175 = arith.constant 0 : i32
      %dma_wait3A_176 = arith.constant 0 : i32
      %dma_wait3A_177 = tpu.memref_slice %arg3[%dma_wait3A_175, %dma_wait3A_176] : memref<262144x128xi32, #tpu.memory_space<hbm>> -> memref<64x128xi32, #tpu.memory_space<hbm>>
      tpu.wait_dma2 semaphore(%arg8 : memref<!tpu.dma_semaphore, #tpu.memory_space<semaphore_mem>>) src(%dma_wait3A_177 : memref<64x128xi32, #tpu.memory_space<hbm>>) dst(%dma_wait3A_174 : memref<64x128xi32, #tpu.memory_space<vmem>>)
      %parallel_loop3A_178 = arith.constant 0 : i32
      %parallel_loop3A_179 = arith.constant 512 : i32
      %parallel_loop3A_180 = arith.constant 1 : i32
      scf.for %parallel_loop3A_340 = %parallel_loop3A_178 to %parallel_loop3A_179 step %parallel_loop3A_180  : i32 {
        %parallel_loop3A_341 = arith.constant 8 : i32
        %parallel_loop3A_342 = arith.divsi %parallel_loop3A_340, %parallel_loop3A_341 : i32
        %parallel_loop3A_343 = arith.constant 0 : i32
        %parallel_loop3A_344 = arith.cmpi sgt, %parallel_loop3A_340, %parallel_loop3A_343 : i32
        %parallel_loop3A_345 = arith.extui %parallel_loop3A_344 : i1 to i32
        %parallel_loop3A_346 = arith.constant 0 : i32
        %parallel_loop3A_347 = arith.cmpi slt, %parallel_loop3A_340, %parallel_loop3A_346 : i32
        %parallel_loop3A_348 = arith.extui %parallel_loop3A_347 : i1 to i32
        %parallel_loop3A_349 = arith.subi %parallel_loop3A_345, %parallel_loop3A_348 : i32
        %parallel_loop3A_350 = arith.constant 0 : i32
        %parallel_loop3A_351 = arith.cmpi sgt, %parallel_loop3A_341, %parallel_loop3A_350 : i32
        %parallel_loop3A_352 = arith.extui %parallel_loop3A_351 : i1 to i32
        %parallel_loop3A_353 = arith.constant 0 : i32
        %parallel_loop3A_354 = arith.cmpi slt, %parallel_loop3A_341, %parallel_loop3A_353 : i32
        %parallel_loop3A_355 = arith.extui %parallel_loop3A_354 : i1 to i32
        %parallel_loop3A_356 = arith.subi %parallel_loop3A_352, %parallel_loop3A_355 : i32
        %parallel_loop3A_357 = arith.cmpi ne, %parallel_loop3A_349, %parallel_loop3A_356 : i32
        %parallel_loop3A_358 = arith.remsi %parallel_loop3A_340, %parallel_loop3A_341 : i32
        %parallel_loop3A_359 = arith.constant 0 : i32
        %parallel_loop3A_360 = arith.cmpi ne, %parallel_loop3A_358, %parallel_loop3A_359 : i32
        %parallel_loop3A_361 = arith.andi %parallel_loop3A_357, %parallel_loop3A_360 : i1
        %parallel_loop3A_362 = arith.constant 1 : i32
        %parallel_loop3A_363 = arith.subi %parallel_loop3A_342, %parallel_loop3A_362 : i32
        %parallel_loop3A_364 = arith.select %parallel_loop3A_361, %parallel_loop3A_363, %parallel_loop3A_342 : i32
        %parallel_loop3A_365 = arith.constant 8 : i32
        %parallel_loop3A_366 = arith.constant 0 : i32
        %parallel_loop3A_367 = arith.cmpi eq, %parallel_loop3A_365, %parallel_loop3A_366 : i32
        %parallel_loop3A_368 = arith.constant 1 : i32
        %parallel_loop3A_369 = arith.select %parallel_loop3A_367, %parallel_loop3A_368, %parallel_loop3A_365 : i32
        %parallel_loop3A_370 = arith.remsi %parallel_loop3A_340, %parallel_loop3A_369 : i32
        %parallel_loop3A_371 = arith.constant 0 : i32
        %parallel_loop3A_372 = arith.cmpi ne, %parallel_loop3A_370, %parallel_loop3A_371 : i32
        %parallel_loop3A_373 = arith.constant 0 : i32
        %parallel_loop3A_374 = arith.cmpi slt, %parallel_loop3A_370, %parallel_loop3A_373 : i32
        %parallel_loop3A_375 = arith.constant 0 : i32
        %parallel_loop3A_376 = arith.cmpi slt, %parallel_loop3A_369, %parallel_loop3A_375 : i32
        %parallel_loop3A_377 = arith.xori %parallel_loop3A_374, %parallel_loop3A_376 : i1
        %parallel_loop3A_378 = arith.andi %parallel_loop3A_377, %parallel_loop3A_372 : i1
        %parallel_loop3A_379 = arith.addi %parallel_loop3A_370, %parallel_loop3A_369 : i32
        %parallel_loop3A_380 = arith.select %parallel_loop3A_378, %parallel_loop3A_379, %parallel_loop3A_370 : i32
        %parallel_loop3A_381 = arith.constant 16 : i32
        %parallel_loop3A_382 = arith.muli %parallel_loop3A_380, %parallel_loop3A_381 : i32
        %parallel_loop3A_383 = arith.constant 1 : i32
        %parallel_loop3A_384 = arith.index_cast %parallel_loop3A_383 : i32 to index
        %parallel_loop3A_385 = arith.index_cast %parallel_loop3A_364 : i32 to index
        %parallel_loop3A_386 = arith.index_cast %parallel_loop3A_382 : i32 to index
        %parallel_loop3A_387 = tpu.vector_load %arg5[%parallel_loop3A_384, %parallel_loop3A_385, %parallel_loop3A_386] {strides = array<i32>} : memref<4x64x128xf32, #tpu.memory_space<vmem>>, vector<1x1x16xf32>,
        %parallel_loop3A_388 = vector.shape_cast %parallel_loop3A_387 : vector<1x1x16xf32> to vector<16xf32>
        %parallel_loop3A_389 = arith.constant 1 : i32
        %parallel_loop3A_390 = arith.index_cast %parallel_loop3A_389 : i32 to index
        %parallel_loop3A_391 = arith.index_cast %parallel_loop3A_364 : i32 to index
        %parallel_loop3A_392 = arith.index_cast %parallel_loop3A_382 : i32 to index
        %parallel_loop3A_393 = tpu.vector_load %arg6[%parallel_loop3A_390, %parallel_loop3A_391, %parallel_loop3A_392] {strides = array<i32>} : memref<4x64x128xi32, #tpu.memory_space<vmem>>, vector<1x1x16xi32>,
        %parallel_loop3A_394 = vector.shape_cast %parallel_loop3A_393 : vector<1x1x16xi32> to vector<16xi32>
        %parallel_loop3A_395 = arith.constant 1 : i32
        %parallel_loop3A_396 = vector.broadcast %parallel_loop3A_395 : i32 to vector<16xi32>
        %parallel_loop3A_397 = arith.cmpi eq, %parallel_loop3A_394, %parallel_loop3A_396 : vector<16xi32>
        %parallel_loop3A_398 = arith.constant 2 : i32
        %parallel_loop3A_399 = vector.broadcast %parallel_loop3A_398 : i32 to vector<16xi32>
        %parallel_loop3A_400 = arith.cmpi eq, %parallel_loop3A_394, %parallel_loop3A_399 : vector<16xi32>
        %parallel_loop3A_401 = arith.constant 3 : i32
        %parallel_loop3A_402 = vector.broadcast %parallel_loop3A_401 : i32 to vector<16xi32>
        %parallel_loop3A_403 = arith.cmpi eq, %parallel_loop3A_394, %parallel_loop3A_402 : vector<16xi32>
        %parallel_loop3A_404 = arith.constant 2.000000e-03 : f32
        %parallel_loop3A_405 = arith.constant 3.000000e-06 : f32
        %parallel_loop3A_406 = vector.broadcast %parallel_loop3A_404 : f32 to vector<16xf32>
        %parallel_loop3A_407 = vector.broadcast %parallel_loop3A_405 : f32 to vector<16xf32>
        %parallel_loop3A_408 = arith.select %parallel_loop3A_403, %parallel_loop3A_406, %parallel_loop3A_407 : vector<16xi1>, vector<16xf32>
        %parallel_loop3A_409 = arith.constant 1.000000e-03 : f32
        %parallel_loop3A_410 = vector.broadcast %parallel_loop3A_409 : f32 to vector<16xf32>
        %parallel_loop3A_411 = arith.select %parallel_loop3A_400, %parallel_loop3A_410, %parallel_loop3A_408 : vector<16xi1>, vector<16xf32>
        %parallel_loop3A_412 = arith.constant 3.000000e-03 : f32
        %parallel_loop3A_413 = vector.broadcast %parallel_loop3A_412 : f32 to vector<16xf32>
        %parallel_loop3A_414 = arith.select %parallel_loop3A_397, %parallel_loop3A_413, %parallel_loop3A_411 : vector<16xi1>, vector<16xf32>
        %parallel_loop3A_415 = arith.constant 0 : i32
        %parallel_loop3A_416 = vector.broadcast %parallel_loop3A_415 : i32 to vector<16xi32>
        %parallel_loop3A_417 = arith.cmpi eq, %parallel_loop3A_394, %parallel_loop3A_416 : vector<16xi32>
        %parallel_loop3A_418 = arith.select %parallel_loop3A_417, %parallel_loop3A_388, %parallel_loop3A_414 : vector<16xi1>, vector<16xf32>
        %parallel_loop3A_419 = arith.constant 1 : i32
        %parallel_loop3A_420 = arith.index_cast %parallel_loop3A_419 : i32 to index
        %parallel_loop3A_421 = arith.index_cast %parallel_loop3A_364 : i32 to index
        %parallel_loop3A_422 = arith.index_cast %parallel_loop3A_382 : i32 to index
        %parallel_loop3A_423 = tpu.vector_load %arg5[%parallel_loop3A_420, %parallel_loop3A_421, %parallel_loop3A_422] {strides = array<i32>} : memref<4x64x128xf32, #tpu.memory_space<vmem>>, vector<1x1x16xf32>,
        %parallel_loop3A_424 = vector.shape_cast %parallel_loop3A_423 : vector<1x1x16xf32> to vector<16xf32>
        %parallel_loop3A_425 = vector.shape_cast %parallel_loop3A_418 : vector<16xf32> to vector<1x1x16xf32>
        tpu.vector_store %arg5[%parallel_loop3A_420, %parallel_loop3A_421, %parallel_loop3A_422], %parallel_loop3A_425 {strides = array<i32>} : memref<4x64x128xf32, #tpu.memory_space<vmem>>, vector<1x1x16xf32>,
      } {sc.loop_unroll_factor = 8 : i64, sc.parallel_access}
      %mul3A_181 = arith.constant 64 : i32
      %mul3A_182 = arith.muli %add3A_147, %mul3A_181 : i32
      %add3A_183 = arith.addi %mul3A_6, %mul3A_182 : i32
      %dma_start3A_184 = arith.constant 1 : i32
      %dma_start3A_185 = arith.constant 0 : i32
      %dma_start3A_186 = arith.constant 0 : i32
      %dma_start3A_187 = tpu.memref_slice %arg5[%dma_start3A_184, %dma_start3A_185, %dma_start3A_186] : memref<4x64x128xf32, #tpu.memory_space<vmem>> -> memref<1x64x128xf32, #tpu.memory_space<vmem>>
      %dma_start3A_188 = tpu.memref_squeeze %dma_start3A_187 : memref<1x64x128xf32, #tpu.memory_space<vmem>> -> memref<64x128xf32, #tpu.memory_space<vmem>>
      %dma_start3A_189 = arith.constant 0 : i32
      %dma_start3A_190 = tpu.memref_slice %arg4[%add3A_183, %dma_start3A_189] : memref<65536x128xf32, #tpu.memory_space<hbm>> -> memref<64x128xf32, #tpu.memory_space<hbm>>
      %dma_start3A_191 = arith.constant 0 : i32
      %dma_start3A_192 = tpu.memref_slice %arg4[%add3A_183, %dma_start3A_191] : memref<65536x128xf32, #tpu.memory_space<hbm>> -> memref<64x128xf32, #tpu.memory_space<hbm>>
      %dma_start3A_193 = arith.constant 0 : i32
      %dma_start3A_194 = arith.constant 0 : i32
      %dma_start3A_195 = tpu.memref_slice %arg5[%dma_start3A_184, %dma_start3A_193, %dma_start3A_194] : memref<4x64x128xf32, #tpu.memory_space<vmem>> -> memref<1x64x128xf32, #tpu.memory_space<vmem>>
      %dma_start3A_196 = tpu.memref_squeeze %dma_start3A_195 : memref<1x64x128xf32, #tpu.memory_space<vmem>> -> memref<64x128xf32, #tpu.memory_space<vmem>>
      tpu.enqueue_dma source(%dma_start3A_196 : memref<64x128xf32, #tpu.memory_space<vmem>>) target(%dma_start3A_192 : memref<64x128xf32, #tpu.memory_space<hbm>>) target_semaphore(%arg12 : memref<!tpu.dma_semaphore, #tpu.memory_space<semaphore_mem>>)
      %ge3A_197 = arith.constant 1 : i32
      %ge3A_198 = arith.cmpi sge, %add3A_147, %ge3A_197 : i32
      %convert_element_type3A_199 = arith.extui %ge3A_198 : i1 to i32
      %cond3A_200 = arith.constant 0 : i32
      %cond3A_201 = arith.cmpi ne, %convert_element_type3A_199, %cond3A_200 : i32
      scf.if %cond3A_201 {
        %dma_wait3A_340 = arith.constant 0 : i32
        %dma_wait3A_341 = arith.constant 0 : i32
        %dma_wait3A_342 = arith.constant 0 : i32
        %dma_wait3A_343 = tpu.memref_slice %arg5[%dma_wait3A_340, %dma_wait3A_341, %dma_wait3A_342] : memref<4x64x128xf32, #tpu.memory_space<vmem>> -> memref<1x64x128xf32, #tpu.memory_space<vmem>>
        %dma_wait3A_344 = tpu.memref_squeeze %dma_wait3A_343 : memref<1x64x128xf32, #tpu.memory_space<vmem>> -> memref<64x128xf32, #tpu.memory_space<vmem>>
        %dma_wait3A_345 = arith.constant 0 : i32
        %dma_wait3A_346 = arith.constant 0 : i32
        %dma_wait3A_347 = tpu.memref_slice %arg4[%dma_wait3A_345, %dma_wait3A_346] : memref<65536x128xf32, #tpu.memory_space<hbm>> -> memref<64x128xf32, #tpu.memory_space<hbm>>
        %dma_wait3A_348 = arith.constant 0 : i32
        %dma_wait3A_349 = arith.constant 0 : i32
        %dma_wait3A_350 = tpu.memref_slice %arg4[%dma_wait3A_348, %dma_wait3A_349] : memref<65536x128xf32, #tpu.memory_space<hbm>> -> memref<64x128xf32, #tpu.memory_space<hbm>>
        %dma_wait3A_351 = arith.constant 0 : i32
        %dma_wait3A_352 = arith.constant 0 : i32
        %dma_wait3A_353 = tpu.memref_slice %arg5[%dma_wait3A_340, %dma_wait3A_351, %dma_wait3A_352] : memref<4x64x128xf32, #tpu.memory_space<vmem>> -> memref<1x64x128xf32, #tpu.memory_space<vmem>>
        %dma_wait3A_354 = tpu.memref_squeeze %dma_wait3A_353 : memref<1x64x128xf32, #tpu.memory_space<vmem>> -> memref<64x128xf32, #tpu.memory_space<vmem>>
        tpu.wait_dma2 semaphore(%arg11 : memref<!tpu.dma_semaphore, #tpu.memory_space<semaphore_mem>>) src(%dma_wait3A_354 : memref<64x128xf32, #tpu.memory_space<vmem>>) dst(%dma_wait3A_350 : memref<64x128xf32, #tpu.memory_space<hbm>>)
      } else {
      }
      %add3A_202 = arith.constant 2 : i32
      %add3A_203 = arith.addi %add3A_147, %add3A_202 : i32
      %lt3A_204 = arith.constant 32 : i32
      %lt3A_205 = arith.cmpi slt, %add3A_203, %lt3A_204 : i32
      %convert_element_type3A_206 = arith.extui %lt3A_205 : i1 to i32
      %cond3A_207 = arith.constant 0 : i32
      %cond3A_208 = arith.cmpi ne, %convert_element_type3A_206, %cond3A_207 : i32
      scf.if %cond3A_208 {
        %add3A_340 = arith.constant 2 : i32
        %add3A_341 = arith.addi %add3A_147, %add3A_340 : i32
        %mul3A_342 = arith.constant 64 : i32
        %mul3A_343 = arith.muli %add3A_341, %mul3A_342 : i32
        %add3A_344 = arith.addi %add3A_4, %mul3A_343 : i32
        %dma_start3A_345 = arith.constant 3 : i32
        %dma_start3A_346 = arith.constant 0 : i32
        %dma_start3A_347 = arith.constant 0 : i32
        %dma_start3A_348 = tpu.memref_slice %arg5[%dma_start3A_345, %dma_start3A_346, %dma_start3A_347] : memref<4x64x128xf32, #tpu.memory_space<vmem>> -> memref<1x64x128xf32, #tpu.memory_space<vmem>>
        %dma_start3A_349 = tpu.memref_squeeze %dma_start3A_348 : memref<1x64x128xf32, #tpu.memory_space<vmem>> -> memref<64x128xf32, #tpu.memory_space<vmem>>
        %dma_start3A_350 = arith.constant 0 : i32
        %dma_start3A_351 = tpu.memref_slice %arg2[%add3A_344, %dma_start3A_350] : memref<262144x128xf32, #tpu.memory_space<hbm>> -> memref<64x128xf32, #tpu.memory_space<hbm>>
        %dma_start3A_352 = arith.constant 0 : i32
        %dma_start3A_353 = arith.constant 0 : i32
        %dma_start3A_354 = tpu.memref_slice %arg5[%dma_start3A_345, %dma_start3A_352, %dma_start3A_353] : memref<4x64x128xf32, #tpu.memory_space<vmem>> -> memref<1x64x128xf32, #tpu.memory_space<vmem>>
        %dma_start3A_355 = tpu.memref_squeeze %dma_start3A_354 : memref<1x64x128xf32, #tpu.memory_space<vmem>> -> memref<64x128xf32, #tpu.memory_space<vmem>>
        %dma_start3A_356 = arith.constant 0 : i32
        %dma_start3A_357 = tpu.memref_slice %arg2[%add3A_344, %dma_start3A_356] : memref<262144x128xf32, #tpu.memory_space<hbm>> -> memref<64x128xf32, #tpu.memory_space<hbm>>
        tpu.enqueue_dma source(%dma_start3A_357 : memref<64x128xf32, #tpu.memory_space<hbm>>) target(%dma_start3A_355 : memref<64x128xf32, #tpu.memory_space<vmem>>) target_semaphore(%arg10 : memref<!tpu.dma_semaphore, #tpu.memory_space<semaphore_mem>>)
        %dma_start3A_358 = arith.constant 3 : i32
        %dma_start3A_359 = arith.constant 0 : i32
        %dma_start3A_360 = arith.constant 0 : i32
        %dma_start3A_361 = tpu.memref_slice %arg6[%dma_start3A_358, %dma_start3A_359, %dma_start3A_360] : memref<4x64x128xi32, #tpu.memory_space<vmem>> -> memref<1x64x128xi32, #tpu.memory_space<vmem>>
        %dma_start3A_362 = tpu.memref_squeeze %dma_start3A_361 : memref<1x64x128xi32, #tpu.memory_space<vmem>> -> memref<64x128xi32, #tpu.memory_space<vmem>>
        %dma_start3A_363 = arith.constant 0 : i32
        %dma_start3A_364 = tpu.memref_slice %arg3[%add3A_344, %dma_start3A_363] : memref<262144x128xi32, #tpu.memory_space<hbm>> -> memref<64x128xi32, #tpu.memory_space<hbm>>
        %dma_start3A_365 = arith.constant 0 : i32
        %dma_start3A_366 = arith.constant 0 : i32
        %dma_start3A_367 = tpu.memref_slice %arg6[%dma_start3A_358, %dma_start3A_365, %dma_start3A_366] : memref<4x64x128xi32, #tpu.memory_space<vmem>> -> memref<1x64x128xi32, #tpu.memory_space<vmem>>
        %dma_start3A_368 = tpu.memref_squeeze %dma_start3A_367 : memref<1x64x128xi32, #tpu.memory_space<vmem>> -> memref<64x128xi32, #tpu.memory_space<vmem>>
        %dma_start3A_369 = arith.constant 0 : i32
        %dma_start3A_370 = tpu.memref_slice %arg3[%add3A_344, %dma_start3A_369] : memref<262144x128xi32, #tpu.memory_space<hbm>> -> memref<64x128xi32, #tpu.memory_space<hbm>>
        tpu.enqueue_dma source(%dma_start3A_370 : memref<64x128xi32, #tpu.memory_space<hbm>>) target(%dma_start3A_368 : memref<64x128xi32, #tpu.memory_space<vmem>>) target_semaphore(%arg10 : memref<!tpu.dma_semaphore, #tpu.memory_space<semaphore_mem>>)
      } else {
      }
      %mul3A_209 = arith.constant 4 : i32
      %mul3A_210 = arith.muli %scan3A_82, %mul3A_209 : i32
      %add3A_211 = arith.constant 2 : i32
      %add3A_212 = arith.addi %mul3A_210, %add3A_211 : i32
      %dma_wait3A_213 = arith.constant 2 : i32
      %dma_wait3A_214 = arith.constant 0 : i32
      %dma_wait3A_215 = arith.constant 0 : i32
      %dma_wait3A_216 = tpu.memref_slice %arg5[%dma_wait3A_213, %dma_wait3A_214, %dma_wait3A_215] : memref<4x64x128xf32, #tpu.memory_space<vmem>> -> memref<1x64x128xf32, #tpu.memory_space<vmem>>
      %dma_wait3A_217 = tpu.memref_squeeze %dma_wait3A_216 : memref<1x64x128xf32, #tpu.memory_space<vmem>> -> memref<64x128xf32, #tpu.memory_space<vmem>>
      %dma_wait3A_218 = arith.constant 0 : i32
      %dma_wait3A_219 = arith.constant 0 : i32
      %dma_wait3A_220 = tpu.memref_slice %arg2[%dma_wait3A_218, %dma_wait3A_219] : memref<262144x128xf32, #tpu.memory_space<hbm>> -> memref<64x128xf32, #tpu.memory_space<hbm>>
      %dma_wait3A_221 = arith.constant 0 : i32
      %dma_wait3A_222 = arith.constant 0 : i32
      %dma_wait3A_223 = tpu.memref_slice %arg5[%dma_wait3A_213, %dma_wait3A_221, %dma_wait3A_222] : memref<4x64x128xf32, #tpu.memory_space<vmem>> -> memref<1x64x128xf32, #tpu.memory_space<vmem>>
      %dma_wait3A_224 = tpu.memref_squeeze %dma_wait3A_223 : memref<1x64x128xf32, #tpu.memory_space<vmem>> -> memref<64x128xf32, #tpu.memory_space<vmem>>
      %dma_wait3A_225 = arith.constant 0 : i32
      %dma_wait3A_226 = arith.constant 0 : i32
      %dma_wait3A_227 = tpu.memref_slice %arg2[%dma_wait3A_225, %dma_wait3A_226] : memref<262144x128xf32, #tpu.memory_space<hbm>> -> memref<64x128xf32, #tpu.memory_space<hbm>>
      tpu.wait_dma2 semaphore(%arg9 : memref<!tpu.dma_semaphore, #tpu.memory_space<semaphore_mem>>) src(%dma_wait3A_227 : memref<64x128xf32, #tpu.memory_space<hbm>>) dst(%dma_wait3A_224 : memref<64x128xf32, #tpu.memory_space<vmem>>)
      %dma_wait3A_228 = arith.constant 2 : i32
      %dma_wait3A_229 = arith.constant 0 : i32
      %dma_wait3A_230 = arith.constant 0 : i32
      %dma_wait3A_231 = tpu.memref_slice %arg6[%dma_wait3A_228, %dma_wait3A_229, %dma_wait3A_230] : memref<4x64x128xi32, #tpu.memory_space<vmem>> -> memref<1x64x128xi32, #tpu.memory_space<vmem>>
      %dma_wait3A_232 = tpu.memref_squeeze %dma_wait3A_231 : memref<1x64x128xi32, #tpu.memory_space<vmem>> -> memref<64x128xi32, #tpu.memory_space<vmem>>
      %dma_wait3A_233 = arith.constant 0 : i32
      %dma_wait3A_234 = arith.constant 0 : i32
      %dma_wait3A_235 = tpu.memref_slice %arg3[%dma_wait3A_233, %dma_wait3A_234] : memref<262144x128xi32, #tpu.memory_space<hbm>> -> memref<64x128xi32, #tpu.memory_space<hbm>>
      %dma_wait3A_236 = arith.constant 0 : i32
      %dma_wait3A_237 = arith.constant 0 : i32
      %dma_wait3A_238 = tpu.memref_slice %arg6[%dma_wait3A_228, %dma_wait3A_236, %dma_wait3A_237] : memref<4x64x128xi32, #tpu.memory_space<vmem>> -> memref<1x64x128xi32, #tpu.memory_space<vmem>>
      %dma_wait3A_239 = tpu.memref_squeeze %dma_wait3A_238 : memref<1x64x128xi32, #tpu.memory_space<vmem>> -> memref<64x128xi32, #tpu.memory_space<vmem>>
      %dma_wait3A_240 = arith.constant 0 : i32
      %dma_wait3A_241 = arith.constant 0 : i32
      %dma_wait3A_242 = tpu.memref_slice %arg3[%dma_wait3A_240, %dma_wait3A_241] : memref<262144x128xi32, #tpu.memory_space<hbm>> -> memref<64x128xi32, #tpu.memory_space<hbm>>
      tpu.wait_dma2 semaphore(%arg9 : memref<!tpu.dma_semaphore, #tpu.memory_space<semaphore_mem>>) src(%dma_wait3A_242 : memref<64x128xi32, #tpu.memory_space<hbm>>) dst(%dma_wait3A_239 : memref<64x128xi32, #tpu.memory_space<vmem>>)
      %parallel_loop3A_243 = arith.constant 0 : i32
      %parallel_loop3A_244 = arith.constant 512 : i32
      %parallel_loop3A_245 = arith.constant 1 : i32
      scf.for %parallel_loop3A_340 = %parallel_loop3A_243 to %parallel_loop3A_244 step %parallel_loop3A_245  : i32 {
        %parallel_loop3A_341 = arith.constant 8 : i32
        %parallel_loop3A_342 = arith.divsi %parallel_loop3A_340, %parallel_loop3A_341 : i32
        %parallel_loop3A_343 = arith.constant 0 : i32
        %parallel_loop3A_344 = arith.cmpi sgt, %parallel_loop3A_340, %parallel_loop3A_343 : i32
        %parallel_loop3A_345 = arith.extui %parallel_loop3A_344 : i1 to i32
        %parallel_loop3A_346 = arith.constant 0 : i32
        %parallel_loop3A_347 = arith.cmpi slt, %parallel_loop3A_340, %parallel_loop3A_346 : i32
        %parallel_loop3A_348 = arith.extui %parallel_loop3A_347 : i1 to i32
        %parallel_loop3A_349 = arith.subi %parallel_loop3A_345, %parallel_loop3A_348 : i32
        %parallel_loop3A_350 = arith.constant 0 : i32
        %parallel_loop3A_351 = arith.cmpi sgt, %parallel_loop3A_341, %parallel_loop3A_350 : i32
        %parallel_loop3A_352 = arith.extui %parallel_loop3A_351 : i1 to i32
        %parallel_loop3A_353 = arith.constant 0 : i32
        %parallel_loop3A_354 = arith.cmpi slt, %parallel_loop3A_341, %parallel_loop3A_353 : i32
        %parallel_loop3A_355 = arith.extui %parallel_loop3A_354 : i1 to i32
        %parallel_loop3A_356 = arith.subi %parallel_loop3A_352, %parallel_loop3A_355 : i32
        %parallel_loop3A_357 = arith.cmpi ne, %parallel_loop3A_349, %parallel_loop3A_356 : i32
        %parallel_loop3A_358 = arith.remsi %parallel_loop3A_340, %parallel_loop3A_341 : i32
        %parallel_loop3A_359 = arith.constant 0 : i32
        %parallel_loop3A_360 = arith.cmpi ne, %parallel_loop3A_358, %parallel_loop3A_359 : i32
        %parallel_loop3A_361 = arith.andi %parallel_loop3A_357, %parallel_loop3A_360 : i1
        %parallel_loop3A_362 = arith.constant 1 : i32
        %parallel_loop3A_363 = arith.subi %parallel_loop3A_342, %parallel_loop3A_362 : i32
        %parallel_loop3A_364 = arith.select %parallel_loop3A_361, %parallel_loop3A_363, %parallel_loop3A_342 : i32
        %parallel_loop3A_365 = arith.constant 8 : i32
        %parallel_loop3A_366 = arith.constant 0 : i32
        %parallel_loop3A_367 = arith.cmpi eq, %parallel_loop3A_365, %parallel_loop3A_366 : i32
        %parallel_loop3A_368 = arith.constant 1 : i32
        %parallel_loop3A_369 = arith.select %parallel_loop3A_367, %parallel_loop3A_368, %parallel_loop3A_365 : i32
        %parallel_loop3A_370 = arith.remsi %parallel_loop3A_340, %parallel_loop3A_369 : i32
        %parallel_loop3A_371 = arith.constant 0 : i32
        %parallel_loop3A_372 = arith.cmpi ne, %parallel_loop3A_370, %parallel_loop3A_371 : i32
        %parallel_loop3A_373 = arith.constant 0 : i32
        %parallel_loop3A_374 = arith.cmpi slt, %parallel_loop3A_370, %parallel_loop3A_373 : i32
        %parallel_loop3A_375 = arith.constant 0 : i32
        %parallel_loop3A_376 = arith.cmpi slt, %parallel_loop3A_369, %parallel_loop3A_375 : i32
        %parallel_loop3A_377 = arith.xori %parallel_loop3A_374, %parallel_loop3A_376 : i1
        %parallel_loop3A_378 = arith.andi %parallel_loop3A_377, %parallel_loop3A_372 : i1
        %parallel_loop3A_379 = arith.addi %parallel_loop3A_370, %parallel_loop3A_369 : i32
        %parallel_loop3A_380 = arith.select %parallel_loop3A_378, %parallel_loop3A_379, %parallel_loop3A_370 : i32
        %parallel_loop3A_381 = arith.constant 16 : i32
        %parallel_loop3A_382 = arith.muli %parallel_loop3A_380, %parallel_loop3A_381 : i32
        %parallel_loop3A_383 = arith.constant 2 : i32
        %parallel_loop3A_384 = arith.index_cast %parallel_loop3A_383 : i32 to index
        %parallel_loop3A_385 = arith.index_cast %parallel_loop3A_364 : i32 to index
        %parallel_loop3A_386 = arith.index_cast %parallel_loop3A_382 : i32 to index
        %parallel_loop3A_387 = tpu.vector_load %arg5[%parallel_loop3A_384, %parallel_loop3A_385, %parallel_loop3A_386] {strides = array<i32>} : memref<4x64x128xf32, #tpu.memory_space<vmem>>, vector<1x1x16xf32>,
        %parallel_loop3A_388 = vector.shape_cast %parallel_loop3A_387 : vector<1x1x16xf32> to vector<16xf32>
        %parallel_loop3A_389 = arith.constant 2 : i32
        %parallel_loop3A_390 = arith.index_cast %parallel_loop3A_389 : i32 to index
        %parallel_loop3A_391 = arith.index_cast %parallel_loop3A_364 : i32 to index
        %parallel_loop3A_392 = arith.index_cast %parallel_loop3A_382 : i32 to index
        %parallel_loop3A_393 = tpu.vector_load %arg6[%parallel_loop3A_390, %parallel_loop3A_391, %parallel_loop3A_392] {strides = array<i32>} : memref<4x64x128xi32, #tpu.memory_space<vmem>>, vector<1x1x16xi32>,
        %parallel_loop3A_394 = vector.shape_cast %parallel_loop3A_393 : vector<1x1x16xi32> to vector<16xi32>
        %parallel_loop3A_395 = arith.constant 1 : i32
        %parallel_loop3A_396 = vector.broadcast %parallel_loop3A_395 : i32 to vector<16xi32>
        %parallel_loop3A_397 = arith.cmpi eq, %parallel_loop3A_394, %parallel_loop3A_396 : vector<16xi32>
        %parallel_loop3A_398 = arith.constant 2 : i32
        %parallel_loop3A_399 = vector.broadcast %parallel_loop3A_398 : i32 to vector<16xi32>
        %parallel_loop3A_400 = arith.cmpi eq, %parallel_loop3A_394, %parallel_loop3A_399 : vector<16xi32>
        %parallel_loop3A_401 = arith.constant 3 : i32
        %parallel_loop3A_402 = vector.broadcast %parallel_loop3A_401 : i32 to vector<16xi32>
        %parallel_loop3A_403 = arith.cmpi eq, %parallel_loop3A_394, %parallel_loop3A_402 : vector<16xi32>
        %parallel_loop3A_404 = arith.constant 2.000000e-03 : f32
        %parallel_loop3A_405 = arith.constant 3.000000e-06 : f32
        %parallel_loop3A_406 = vector.broadcast %parallel_loop3A_404 : f32 to vector<16xf32>
        %parallel_loop3A_407 = vector.broadcast %parallel_loop3A_405 : f32 to vector<16xf32>
        %parallel_loop3A_408 = arith.select %parallel_loop3A_403, %parallel_loop3A_406, %parallel_loop3A_407 : vector<16xi1>, vector<16xf32>
        %parallel_loop3A_409 = arith.constant 1.000000e-03 : f32
        %parallel_loop3A_410 = vector.broadcast %parallel_loop3A_409 : f32 to vector<16xf32>
        %parallel_loop3A_411 = arith.select %parallel_loop3A_400, %parallel_loop3A_410, %parallel_loop3A_408 : vector<16xi1>, vector<16xf32>
        %parallel_loop3A_412 = arith.constant 3.000000e-03 : f32
        %parallel_loop3A_413 = vector.broadcast %parallel_loop3A_412 : f32 to vector<16xf32>
        %parallel_loop3A_414 = arith.select %parallel_loop3A_397, %parallel_loop3A_413, %parallel_loop3A_411 : vector<16xi1>, vector<16xf32>
        %parallel_loop3A_415 = arith.constant 0 : i32
        %parallel_loop3A_416 = vector.broadcast %parallel_loop3A_415 : i32 to vector<16xi32>
        %parallel_loop3A_417 = arith.cmpi eq, %parallel_loop3A_394, %parallel_loop3A_416 : vector<16xi32>
        %parallel_loop3A_418 = arith.select %parallel_loop3A_417, %parallel_loop3A_388, %parallel_loop3A_414 : vector<16xi1>, vector<16xf32>
        %parallel_loop3A_419 = arith.constant 2 : i32
        %parallel_loop3A_420 = arith.index_cast %parallel_loop3A_419 : i32 to index
        %parallel_loop3A_421 = arith.index_cast %parallel_loop3A_364 : i32 to index
        %parallel_loop3A_422 = arith.index_cast %parallel_loop3A_382 : i32 to index
        %parallel_loop3A_423 = tpu.vector_load %arg5[%parallel_loop3A_420, %parallel_loop3A_421, %parallel_loop3A_422] {strides = array<i32>} : memref<4x64x128xf32, #tpu.memory_space<vmem>>, vector<1x1x16xf32>,
        %parallel_loop3A_424 = vector.shape_cast %parallel_loop3A_423 : vector<1x1x16xf32> to vector<16xf32>
        %parallel_loop3A_425 = vector.shape_cast %parallel_loop3A_418 : vector<16xf32> to vector<1x1x16xf32>
        tpu.vector_store %arg5[%parallel_loop3A_420, %parallel_loop3A_421, %parallel_loop3A_422], %parallel_loop3A_425 {strides = array<i32>} : memref<4x64x128xf32, #tpu.memory_space<vmem>>, vector<1x1x16xf32>,
      } {sc.loop_unroll_factor = 8 : i64, sc.parallel_access}
      %mul3A_246 = arith.constant 64 : i32
      %mul3A_247 = arith.muli %add3A_212, %mul3A_246 : i32
      %add3A_248 = arith.addi %mul3A_6, %mul3A_247 : i32
      %dma_start3A_249 = arith.constant 2 : i32
      %dma_start3A_250 = arith.constant 0 : i32
      %dma_start3A_251 = arith.constant 0 : i32
      %dma_start3A_252 = tpu.memref_slice %arg5[%dma_start3A_249, %dma_start3A_250, %dma_start3A_251] : memref<4x64x128xf32, #tpu.memory_space<vmem>> -> memref<1x64x128xf32, #tpu.memory_space<vmem>>
      %dma_start3A_253 = tpu.memref_squeeze %dma_start3A_252 : memref<1x64x128xf32, #tpu.memory_space<vmem>> -> memref<64x128xf32, #tpu.memory_space<vmem>>
      %dma_start3A_254 = arith.constant 0 : i32
      %dma_start3A_255 = tpu.memref_slice %arg4[%add3A_248, %dma_start3A_254] : memref<65536x128xf32, #tpu.memory_space<hbm>> -> memref<64x128xf32, #tpu.memory_space<hbm>>
      %dma_start3A_256 = arith.constant 0 : i32
      %dma_start3A_257 = tpu.memref_slice %arg4[%add3A_248, %dma_start3A_256] : memref<65536x128xf32, #tpu.memory_space<hbm>> -> memref<64x128xf32, #tpu.memory_space<hbm>>
      %dma_start3A_258 = arith.constant 0 : i32
      %dma_start3A_259 = arith.constant 0 : i32
      %dma_start3A_260 = tpu.memref_slice %arg5[%dma_start3A_249, %dma_start3A_258, %dma_start3A_259] : memref<4x64x128xf32, #tpu.memory_space<vmem>> -> memref<1x64x128xf32, #tpu.memory_space<vmem>>
      %dma_start3A_261 = tpu.memref_squeeze %dma_start3A_260 : memref<1x64x128xf32, #tpu.memory_space<vmem>> -> memref<64x128xf32, #tpu.memory_space<vmem>>
      tpu.enqueue_dma source(%dma_start3A_261 : memref<64x128xf32, #tpu.memory_space<vmem>>) target(%dma_start3A_257 : memref<64x128xf32, #tpu.memory_space<hbm>>) target_semaphore(%arg13 : memref<!tpu.dma_semaphore, #tpu.memory_space<semaphore_mem>>)
      %ge3A_262 = arith.constant 1 : i32
      %ge3A_263 = arith.cmpi sge, %add3A_212, %ge3A_262 : i32
      %convert_element_type3A_264 = arith.extui %ge3A_263 : i1 to i32
      %cond3A_265 = arith.constant 0 : i32
      %cond3A_266 = arith.cmpi ne, %convert_element_type3A_264, %cond3A_265 : i32
      scf.if %cond3A_266 {
        %dma_wait3A_340 = arith.constant 1 : i32
        %dma_wait3A_341 = arith.constant 0 : i32
        %dma_wait3A_342 = arith.constant 0 : i32
        %dma_wait3A_343 = tpu.memref_slice %arg5[%dma_wait3A_340, %dma_wait3A_341, %dma_wait3A_342] : memref<4x64x128xf32, #tpu.memory_space<vmem>> -> memref<1x64x128xf32, #tpu.memory_space<vmem>>
        %dma_wait3A_344 = tpu.memref_squeeze %dma_wait3A_343 : memref<1x64x128xf32, #tpu.memory_space<vmem>> -> memref<64x128xf32, #tpu.memory_space<vmem>>
        %dma_wait3A_345 = arith.constant 0 : i32
        %dma_wait3A_346 = arith.constant 0 : i32
        %dma_wait3A_347 = tpu.memref_slice %arg4[%dma_wait3A_345, %dma_wait3A_346] : memref<65536x128xf32, #tpu.memory_space<hbm>> -> memref<64x128xf32, #tpu.memory_space<hbm>>
        %dma_wait3A_348 = arith.constant 0 : i32
        %dma_wait3A_349 = arith.constant 0 : i32
        %dma_wait3A_350 = tpu.memref_slice %arg4[%dma_wait3A_348, %dma_wait3A_349] : memref<65536x128xf32, #tpu.memory_space<hbm>> -> memref<64x128xf32, #tpu.memory_space<hbm>>
        %dma_wait3A_351 = arith.constant 0 : i32
        %dma_wait3A_352 = arith.constant 0 : i32
        %dma_wait3A_353 = tpu.memref_slice %arg5[%dma_wait3A_340, %dma_wait3A_351, %dma_wait3A_352] : memref<4x64x128xf32, #tpu.memory_space<vmem>> -> memref<1x64x128xf32, #tpu.memory_space<vmem>>
        %dma_wait3A_354 = tpu.memref_squeeze %dma_wait3A_353 : memref<1x64x128xf32, #tpu.memory_space<vmem>> -> memref<64x128xf32, #tpu.memory_space<vmem>>
        tpu.wait_dma2 semaphore(%arg12 : memref<!tpu.dma_semaphore, #tpu.memory_space<semaphore_mem>>) src(%dma_wait3A_354 : memref<64x128xf32, #tpu.memory_space<vmem>>) dst(%dma_wait3A_350 : memref<64x128xf32, #tpu.memory_space<hbm>>)
      } else {
      }
      %add3A_267 = arith.constant 2 : i32
      %add3A_268 = arith.addi %add3A_212, %add3A_267 : i32
      %lt3A_269 = arith.constant 32 : i32
      %lt3A_270 = arith.cmpi slt, %add3A_268, %lt3A_269 : i32
      %convert_element_type3A_271 = arith.extui %lt3A_270 : i1 to i32
      %cond3A_272 = arith.constant 0 : i32
      %cond3A_273 = arith.cmpi ne, %convert_element_type3A_271, %cond3A_272 : i32
      scf.if %cond3A_273 {
        %add3A_340 = arith.constant 2 : i32
        %add3A_341 = arith.addi %add3A_212, %add3A_340 : i32
        %mul3A_342 = arith.constant 64 : i32
        %mul3A_343 = arith.muli %add3A_341, %mul3A_342 : i32
        %add3A_344 = arith.addi %add3A_4, %mul3A_343 : i32
        %dma_start3A_345 = arith.constant 0 : i32
        %dma_start3A_346 = arith.constant 0 : i32
        %dma_start3A_347 = arith.constant 0 : i32
        %dma_start3A_348 = tpu.memref_slice %arg5[%dma_start3A_345, %dma_start3A_346, %dma_start3A_347] : memref<4x64x128xf32, #tpu.memory_space<vmem>> -> memref<1x64x128xf32, #tpu.memory_space<vmem>>
        %dma_start3A_349 = tpu.memref_squeeze %dma_start3A_348 : memref<1x64x128xf32, #tpu.memory_space<vmem>> -> memref<64x128xf32, #tpu.memory_space<vmem>>
        %dma_start3A_350 = arith.constant 0 : i32
        %dma_start3A_351 = tpu.memref_slice %arg2[%add3A_344, %dma_start3A_350] : memref<262144x128xf32, #tpu.memory_space<hbm>> -> memref<64x128xf32, #tpu.memory_space<hbm>>
        %dma_start3A_352 = arith.constant 0 : i32
        %dma_start3A_353 = arith.constant 0 : i32
        %dma_start3A_354 = tpu.memref_slice %arg5[%dma_start3A_345, %dma_start3A_352, %dma_start3A_353] : memref<4x64x128xf32, #tpu.memory_space<vmem>> -> memref<1x64x128xf32, #tpu.memory_space<vmem>>
        %dma_start3A_355 = tpu.memref_squeeze %dma_start3A_354 : memref<1x64x128xf32, #tpu.memory_space<vmem>> -> memref<64x128xf32, #tpu.memory_space<vmem>>
        %dma_start3A_356 = arith.constant 0 : i32
        %dma_start3A_357 = tpu.memref_slice %arg2[%add3A_344, %dma_start3A_356] : memref<262144x128xf32, #tpu.memory_space<hbm>> -> memref<64x128xf32, #tpu.memory_space<hbm>>
        tpu.enqueue_dma source(%dma_start3A_357 : memref<64x128xf32, #tpu.memory_space<hbm>>) target(%dma_start3A_355 : memref<64x128xf32, #tpu.memory_space<vmem>>) target_semaphore(%arg7 : memref<!tpu.dma_semaphore, #tpu.memory_space<semaphore_mem>>)
        %dma_start3A_358 = arith.constant 0 : i32
        %dma_start3A_359 = arith.constant 0 : i32
        %dma_start3A_360 = arith.constant 0 : i32
        %dma_start3A_361 = tpu.memref_slice %arg6[%dma_start3A_358, %dma_start3A_359, %dma_start3A_360] : memref<4x64x128xi32, #tpu.memory_space<vmem>> -> memref<1x64x128xi32, #tpu.memory_space<vmem>>
        %dma_start3A_362 = tpu.memref_squeeze %dma_start3A_361 : memref<1x64x128xi32, #tpu.memory_space<vmem>> -> memref<64x128xi32, #tpu.memory_space<vmem>>
        %dma_start3A_363 = arith.constant 0 : i32
        %dma_start3A_364 = tpu.memref_slice %arg3[%add3A_344, %dma_start3A_363] : memref<262144x128xi32, #tpu.memory_space<hbm>> -> memref<64x128xi32, #tpu.memory_space<hbm>>
        %dma_start3A_365 = arith.constant 0 : i32
        %dma_start3A_366 = arith.constant 0 : i32
        %dma_start3A_367 = tpu.memref_slice %arg6[%dma_start3A_358, %dma_start3A_365, %dma_start3A_366] : memref<4x64x128xi32, #tpu.memory_space<vmem>> -> memref<1x64x128xi32, #tpu.memory_space<vmem>>
        %dma_start3A_368 = tpu.memref_squeeze %dma_start3A_367 : memref<1x64x128xi32, #tpu.memory_space<vmem>> -> memref<64x128xi32, #tpu.memory_space<vmem>>
        %dma_start3A_369 = arith.constant 0 : i32
        %dma_start3A_370 = tpu.memref_slice %arg3[%add3A_344, %dma_start3A_369] : memref<262144x128xi32, #tpu.memory_space<hbm>> -> memref<64x128xi32, #tpu.memory_space<hbm>>
        tpu.enqueue_dma source(%dma_start3A_370 : memref<64x128xi32, #tpu.memory_space<hbm>>) target(%dma_start3A_368 : memref<64x128xi32, #tpu.memory_space<vmem>>) target_semaphore(%arg7 : memref<!tpu.dma_semaphore, #tpu.memory_space<semaphore_mem>>)
      } else {
      }
      %mul3A_274 = arith.constant 4 : i32
      %mul3A_275 = arith.muli %scan3A_82, %mul3A_274 : i32
      %add3A_276 = arith.constant 3 : i32
      %add3A_277 = arith.addi %mul3A_275, %add3A_276 : i32
      %dma_wait3A_278 = arith.constant 3 : i32
      %dma_wait3A_279 = arith.constant 0 : i32
      %dma_wait3A_280 = arith.constant 0 : i32
      %dma_wait3A_281 = tpu.memref_slice %arg5[%dma_wait3A_278, %dma_wait3A_279, %dma_wait3A_280] : memref<4x64x128xf32, #tpu.memory_space<vmem>> -> memref<1x64x128xf32, #tpu.memory_space<vmem>>
      %dma_wait3A_282 = tpu.memref_squeeze %dma_wait3A_281 : memref<1x64x128xf32, #tpu.memory_space<vmem>> -> memref<64x128xf32, #tpu.memory_space<vmem>>
      %dma_wait3A_283 = arith.constant 0 : i32
      %dma_wait3A_284 = arith.constant 0 : i32
      %dma_wait3A_285 = tpu.memref_slice %arg2[%dma_wait3A_283, %dma_wait3A_284] : memref<262144x128xf32, #tpu.memory_space<hbm>> -> memref<64x128xf32, #tpu.memory_space<hbm>>
      %dma_wait3A_286 = arith.constant 0 : i32
      %dma_wait3A_287 = arith.constant 0 : i32
      %dma_wait3A_288 = tpu.memref_slice %arg5[%dma_wait3A_278, %dma_wait3A_286, %dma_wait3A_287] : memref<4x64x128xf32, #tpu.memory_space<vmem>> -> memref<1x64x128xf32, #tpu.memory_space<vmem>>
      %dma_wait3A_289 = tpu.memref_squeeze %dma_wait3A_288 : memref<1x64x128xf32, #tpu.memory_space<vmem>> -> memref<64x128xf32, #tpu.memory_space<vmem>>
      %dma_wait3A_290 = arith.constant 0 : i32
      %dma_wait3A_291 = arith.constant 0 : i32
      %dma_wait3A_292 = tpu.memref_slice %arg2[%dma_wait3A_290, %dma_wait3A_291] : memref<262144x128xf32, #tpu.memory_space<hbm>> -> memref<64x128xf32, #tpu.memory_space<hbm>>
      tpu.wait_dma2 semaphore(%arg10 : memref<!tpu.dma_semaphore, #tpu.memory_space<semaphore_mem>>) src(%dma_wait3A_292 : memref<64x128xf32, #tpu.memory_space<hbm>>) dst(%dma_wait3A_289 : memref<64x128xf32, #tpu.memory_space<vmem>>)
      %dma_wait3A_293 = arith.constant 3 : i32
      %dma_wait3A_294 = arith.constant 0 : i32
      %dma_wait3A_295 = arith.constant 0 : i32
      %dma_wait3A_296 = tpu.memref_slice %arg6[%dma_wait3A_293, %dma_wait3A_294, %dma_wait3A_295] : memref<4x64x128xi32, #tpu.memory_space<vmem>> -> memref<1x64x128xi32, #tpu.memory_space<vmem>>
      %dma_wait3A_297 = tpu.memref_squeeze %dma_wait3A_296 : memref<1x64x128xi32, #tpu.memory_space<vmem>> -> memref<64x128xi32, #tpu.memory_space<vmem>>
      %dma_wait3A_298 = arith.constant 0 : i32
      %dma_wait3A_299 = arith.constant 0 : i32
      %dma_wait3A_300 = tpu.memref_slice %arg3[%dma_wait3A_298, %dma_wait3A_299] : memref<262144x128xi32, #tpu.memory_space<hbm>> -> memref<64x128xi32, #tpu.memory_space<hbm>>
      %dma_wait3A_301 = arith.constant 0 : i32
      %dma_wait3A_302 = arith.constant 0 : i32
      %dma_wait3A_303 = tpu.memref_slice %arg6[%dma_wait3A_293, %dma_wait3A_301, %dma_wait3A_302] : memref<4x64x128xi32, #tpu.memory_space<vmem>> -> memref<1x64x128xi32, #tpu.memory_space<vmem>>
      %dma_wait3A_304 = tpu.memref_squeeze %dma_wait3A_303 : memref<1x64x128xi32, #tpu.memory_space<vmem>> -> memref<64x128xi32, #tpu.memory_space<vmem>>
      %dma_wait3A_305 = arith.constant 0 : i32
      %dma_wait3A_306 = arith.constant 0 : i32
      %dma_wait3A_307 = tpu.memref_slice %arg3[%dma_wait3A_305, %dma_wait3A_306] : memref<262144x128xi32, #tpu.memory_space<hbm>> -> memref<64x128xi32, #tpu.memory_space<hbm>>
      tpu.wait_dma2 semaphore(%arg10 : memref<!tpu.dma_semaphore, #tpu.memory_space<semaphore_mem>>) src(%dma_wait3A_307 : memref<64x128xi32, #tpu.memory_space<hbm>>) dst(%dma_wait3A_304 : memref<64x128xi32, #tpu.memory_space<vmem>>)
      %parallel_loop3A_308 = arith.constant 0 : i32
      %parallel_loop3A_309 = arith.constant 512 : i32
      %parallel_loop3A_310 = arith.constant 1 : i32
      scf.for %parallel_loop3A_340 = %parallel_loop3A_308 to %parallel_loop3A_309 step %parallel_loop3A_310  : i32 {
        %parallel_loop3A_341 = arith.constant 8 : i32
        %parallel_loop3A_342 = arith.divsi %parallel_loop3A_340, %parallel_loop3A_341 : i32
        %parallel_loop3A_343 = arith.constant 0 : i32
        %parallel_loop3A_344 = arith.cmpi sgt, %parallel_loop3A_340, %parallel_loop3A_343 : i32
        %parallel_loop3A_345 = arith.extui %parallel_loop3A_344 : i1 to i32
        %parallel_loop3A_346 = arith.constant 0 : i32
        %parallel_loop3A_347 = arith.cmpi slt, %parallel_loop3A_340, %parallel_loop3A_346 : i32
        %parallel_loop3A_348 = arith.extui %parallel_loop3A_347 : i1 to i32
        %parallel_loop3A_349 = arith.subi %parallel_loop3A_345, %parallel_loop3A_348 : i32
        %parallel_loop3A_350 = arith.constant 0 : i32
        %parallel_loop3A_351 = arith.cmpi sgt, %parallel_loop3A_341, %parallel_loop3A_350 : i32
        %parallel_loop3A_352 = arith.extui %parallel_loop3A_351 : i1 to i32
        %parallel_loop3A_353 = arith.constant 0 : i32
        %parallel_loop3A_354 = arith.cmpi slt, %parallel_loop3A_341, %parallel_loop3A_353 : i32
        %parallel_loop3A_355 = arith.extui %parallel_loop3A_354 : i1 to i32
        %parallel_loop3A_356 = arith.subi %parallel_loop3A_352, %parallel_loop3A_355 : i32
        %parallel_loop3A_357 = arith.cmpi ne, %parallel_loop3A_349, %parallel_loop3A_356 : i32
        %parallel_loop3A_358 = arith.remsi %parallel_loop3A_340, %parallel_loop3A_341 : i32
        %parallel_loop3A_359 = arith.constant 0 : i32
        %parallel_loop3A_360 = arith.cmpi ne, %parallel_loop3A_358, %parallel_loop3A_359 : i32
        %parallel_loop3A_361 = arith.andi %parallel_loop3A_357, %parallel_loop3A_360 : i1
        %parallel_loop3A_362 = arith.constant 1 : i32
        %parallel_loop3A_363 = arith.subi %parallel_loop3A_342, %parallel_loop3A_362 : i32
        %parallel_loop3A_364 = arith.select %parallel_loop3A_361, %parallel_loop3A_363, %parallel_loop3A_342 : i32
        %parallel_loop3A_365 = arith.constant 8 : i32
        %parallel_loop3A_366 = arith.constant 0 : i32
        %parallel_loop3A_367 = arith.cmpi eq, %parallel_loop3A_365, %parallel_loop3A_366 : i32
        %parallel_loop3A_368 = arith.constant 1 : i32
        %parallel_loop3A_369 = arith.select %parallel_loop3A_367, %parallel_loop3A_368, %parallel_loop3A_365 : i32
        %parallel_loop3A_370 = arith.remsi %parallel_loop3A_340, %parallel_loop3A_369 : i32
        %parallel_loop3A_371 = arith.constant 0 : i32
        %parallel_loop3A_372 = arith.cmpi ne, %parallel_loop3A_370, %parallel_loop3A_371 : i32
        %parallel_loop3A_373 = arith.constant 0 : i32
        %parallel_loop3A_374 = arith.cmpi slt, %parallel_loop3A_370, %parallel_loop3A_373 : i32
        %parallel_loop3A_375 = arith.constant 0 : i32
        %parallel_loop3A_376 = arith.cmpi slt, %parallel_loop3A_369, %parallel_loop3A_375 : i32
        %parallel_loop3A_377 = arith.xori %parallel_loop3A_374, %parallel_loop3A_376 : i1
        %parallel_loop3A_378 = arith.andi %parallel_loop3A_377, %parallel_loop3A_372 : i1
        %parallel_loop3A_379 = arith.addi %parallel_loop3A_370, %parallel_loop3A_369 : i32
        %parallel_loop3A_380 = arith.select %parallel_loop3A_378, %parallel_loop3A_379, %parallel_loop3A_370 : i32
        %parallel_loop3A_381 = arith.constant 16 : i32
        %parallel_loop3A_382 = arith.muli %parallel_loop3A_380, %parallel_loop3A_381 : i32
        %parallel_loop3A_383 = arith.constant 3 : i32
        %parallel_loop3A_384 = arith.index_cast %parallel_loop3A_383 : i32 to index
        %parallel_loop3A_385 = arith.index_cast %parallel_loop3A_364 : i32 to index
        %parallel_loop3A_386 = arith.index_cast %parallel_loop3A_382 : i32 to index
        %parallel_loop3A_387 = tpu.vector_load %arg5[%parallel_loop3A_384, %parallel_loop3A_385, %parallel_loop3A_386] {strides = array<i32>} : memref<4x64x128xf32, #tpu.memory_space<vmem>>, vector<1x1x16xf32>,
        %parallel_loop3A_388 = vector.shape_cast %parallel_loop3A_387 : vector<1x1x16xf32> to vector<16xf32>
        %parallel_loop3A_389 = arith.constant 3 : i32
        %parallel_loop3A_390 = arith.index_cast %parallel_loop3A_389 : i32 to index
        %parallel_loop3A_391 = arith.index_cast %parallel_loop3A_364 : i32 to index
        %parallel_loop3A_392 = arith.index_cast %parallel_loop3A_382 : i32 to index
        %parallel_loop3A_393 = tpu.vector_load %arg6[%parallel_loop3A_390, %parallel_loop3A_391, %parallel_loop3A_392] {strides = array<i32>} : memref<4x64x128xi32, #tpu.memory_space<vmem>>, vector<1x1x16xi32>,
        %parallel_loop3A_394 = vector.shape_cast %parallel_loop3A_393 : vector<1x1x16xi32> to vector<16xi32>
        %parallel_loop3A_395 = arith.constant 1 : i32
        %parallel_loop3A_396 = vector.broadcast %parallel_loop3A_395 : i32 to vector<16xi32>
        %parallel_loop3A_397 = arith.cmpi eq, %parallel_loop3A_394, %parallel_loop3A_396 : vector<16xi32>
        %parallel_loop3A_398 = arith.constant 2 : i32
        %parallel_loop3A_399 = vector.broadcast %parallel_loop3A_398 : i32 to vector<16xi32>
        %parallel_loop3A_400 = arith.cmpi eq, %parallel_loop3A_394, %parallel_loop3A_399 : vector<16xi32>
        %parallel_loop3A_401 = arith.constant 3 : i32
        %parallel_loop3A_402 = vector.broadcast %parallel_loop3A_401 : i32 to vector<16xi32>
        %parallel_loop3A_403 = arith.cmpi eq, %parallel_loop3A_394, %parallel_loop3A_402 : vector<16xi32>
        %parallel_loop3A_404 = arith.constant 2.000000e-03 : f32
        %parallel_loop3A_405 = arith.constant 3.000000e-06 : f32
        %parallel_loop3A_406 = vector.broadcast %parallel_loop3A_404 : f32 to vector<16xf32>
        %parallel_loop3A_407 = vector.broadcast %parallel_loop3A_405 : f32 to vector<16xf32>
        %parallel_loop3A_408 = arith.select %parallel_loop3A_403, %parallel_loop3A_406, %parallel_loop3A_407 : vector<16xi1>, vector<16xf32>
        %parallel_loop3A_409 = arith.constant 1.000000e-03 : f32
        %parallel_loop3A_410 = vector.broadcast %parallel_loop3A_409 : f32 to vector<16xf32>
        %parallel_loop3A_411 = arith.select %parallel_loop3A_400, %parallel_loop3A_410, %parallel_loop3A_408 : vector<16xi1>, vector<16xf32>
        %parallel_loop3A_412 = arith.constant 3.000000e-03 : f32
        %parallel_loop3A_413 = vector.broadcast %parallel_loop3A_412 : f32 to vector<16xf32>
        %parallel_loop3A_414 = arith.select %parallel_loop3A_397, %parallel_loop3A_413, %parallel_loop3A_411 : vector<16xi1>, vector<16xf32>
        %parallel_loop3A_415 = arith.constant 0 : i32
        %parallel_loop3A_416 = vector.broadcast %parallel_loop3A_415 : i32 to vector<16xi32>
        %parallel_loop3A_417 = arith.cmpi eq, %parallel_loop3A_394, %parallel_loop3A_416 : vector<16xi32>
        %parallel_loop3A_418 = arith.select %parallel_loop3A_417, %parallel_loop3A_388, %parallel_loop3A_414 : vector<16xi1>, vector<16xf32>
        %parallel_loop3A_419 = arith.constant 3 : i32
        %parallel_loop3A_420 = arith.index_cast %parallel_loop3A_419 : i32 to index
        %parallel_loop3A_421 = arith.index_cast %parallel_loop3A_364 : i32 to index
        %parallel_loop3A_422 = arith.index_cast %parallel_loop3A_382 : i32 to index
        %parallel_loop3A_423 = tpu.vector_load %arg5[%parallel_loop3A_420, %parallel_loop3A_421, %parallel_loop3A_422] {strides = array<i32>} : memref<4x64x128xf32, #tpu.memory_space<vmem>>, vector<1x1x16xf32>,
        %parallel_loop3A_424 = vector.shape_cast %parallel_loop3A_423 : vector<1x1x16xf32> to vector<16xf32>
        %parallel_loop3A_425 = vector.shape_cast %parallel_loop3A_418 : vector<16xf32> to vector<1x1x16xf32>
        tpu.vector_store %arg5[%parallel_loop3A_420, %parallel_loop3A_421, %parallel_loop3A_422], %parallel_loop3A_425 {strides = array<i32>} : memref<4x64x128xf32, #tpu.memory_space<vmem>>, vector<1x1x16xf32>,
      } {sc.loop_unroll_factor = 8 : i64, sc.parallel_access}
      %mul3A_311 = arith.constant 64 : i32
      %mul3A_312 = arith.muli %add3A_277, %mul3A_311 : i32
      %add3A_313 = arith.addi %mul3A_6, %mul3A_312 : i32
      %dma_start3A_314 = arith.constant 3 : i32
      %dma_start3A_315 = arith.constant 0 : i32
      %dma_start3A_316 = arith.constant 0 : i32
      %dma_start3A_317 = tpu.memref_slice %arg5[%dma_start3A_314, %dma_start3A_315, %dma_start3A_316] : memref<4x64x128xf32, #tpu.memory_space<vmem>> -> memref<1x64x128xf32, #tpu.memory_space<vmem>>
      %dma_start3A_318 = tpu.memref_squeeze %dma_start3A_317 : memref<1x64x128xf32, #tpu.memory_space<vmem>> -> memref<64x128xf32, #tpu.memory_space<vmem>>
      %dma_start3A_319 = arith.constant 0 : i32
      %dma_start3A_320 = tpu.memref_slice %arg4[%add3A_313, %dma_start3A_319] : memref<65536x128xf32, #tpu.memory_space<hbm>> -> memref<64x128xf32, #tpu.memory_space<hbm>>
      %dma_start3A_321 = arith.constant 0 : i32
      %dma_start3A_322 = tpu.memref_slice %arg4[%add3A_313, %dma_start3A_321] : memref<65536x128xf32, #tpu.memory_space<hbm>> -> memref<64x128xf32, #tpu.memory_space<hbm>>
      %dma_start3A_323 = arith.constant 0 : i32
      %dma_start3A_324 = arith.constant 0 : i32
      %dma_start3A_325 = tpu.memref_slice %arg5[%dma_start3A_314, %dma_start3A_323, %dma_start3A_324] : memref<4x64x128xf32, #tpu.memory_space<vmem>> -> memref<1x64x128xf32, #tpu.memory_space<vmem>>
      %dma_start3A_326 = tpu.memref_squeeze %dma_start3A_325 : memref<1x64x128xf32, #tpu.memory_space<vmem>> -> memref<64x128xf32, #tpu.memory_space<vmem>>
      tpu.enqueue_dma source(%dma_start3A_326 : memref<64x128xf32, #tpu.memory_space<vmem>>) target(%dma_start3A_322 : memref<64x128xf32, #tpu.memory_space<hbm>>) target_semaphore(%arg14 : memref<!tpu.dma_semaphore, #tpu.memory_space<semaphore_mem>>)
      %ge3A_327 = arith.constant 1 : i32
      %ge3A_328 = arith.cmpi sge, %add3A_277, %ge3A_327 : i32
      %convert_element_type3A_329 = arith.extui %ge3A_328 : i1 to i32
      %cond3A_330 = arith.constant 0 : i32
      %cond3A_331 = arith.cmpi ne, %convert_element_type3A_329, %cond3A_330 : i32
      scf.if %cond3A_331 {
        %dma_wait3A_340 = arith.constant 2 : i32
        %dma_wait3A_341 = arith.constant 0 : i32
        %dma_wait3A_342 = arith.constant 0 : i32
        %dma_wait3A_343 = tpu.memref_slice %arg5[%dma_wait3A_340, %dma_wait3A_341, %dma_wait3A_342] : memref<4x64x128xf32, #tpu.memory_space<vmem>> -> memref<1x64x128xf32, #tpu.memory_space<vmem>>
        %dma_wait3A_344 = tpu.memref_squeeze %dma_wait3A_343 : memref<1x64x128xf32, #tpu.memory_space<vmem>> -> memref<64x128xf32, #tpu.memory_space<vmem>>
        %dma_wait3A_345 = arith.constant 0 : i32
        %dma_wait3A_346 = arith.constant 0 : i32
        %dma_wait3A_347 = tpu.memref_slice %arg4[%dma_wait3A_345, %dma_wait3A_346] : memref<65536x128xf32, #tpu.memory_space<hbm>> -> memref<64x128xf32, #tpu.memory_space<hbm>>
        %dma_wait3A_348 = arith.constant 0 : i32
        %dma_wait3A_349 = arith.constant 0 : i32
        %dma_wait3A_350 = tpu.memref_slice %arg4[%dma_wait3A_348, %dma_wait3A_349] : memref<65536x128xf32, #tpu.memory_space<hbm>> -> memref<64x128xf32, #tpu.memory_space<hbm>>
        %dma_wait3A_351 = arith.constant 0 : i32
        %dma_wait3A_352 = arith.constant 0 : i32
        %dma_wait3A_353 = tpu.memref_slice %arg5[%dma_wait3A_340, %dma_wait3A_351, %dma_wait3A_352] : memref<4x64x128xf32, #tpu.memory_space<vmem>> -> memref<1x64x128xf32, #tpu.memory_space<vmem>>
        %dma_wait3A_354 = tpu.memref_squeeze %dma_wait3A_353 : memref<1x64x128xf32, #tpu.memory_space<vmem>> -> memref<64x128xf32, #tpu.memory_space<vmem>>
        tpu.wait_dma2 semaphore(%arg13 : memref<!tpu.dma_semaphore, #tpu.memory_space<semaphore_mem>>) src(%dma_wait3A_354 : memref<64x128xf32, #tpu.memory_space<vmem>>) dst(%dma_wait3A_350 : memref<64x128xf32, #tpu.memory_space<hbm>>)
      } else {
      }
      %add3A_332 = arith.constant 2 : i32
      %add3A_333 = arith.addi %add3A_277, %add3A_332 : i32
      %lt3A_334 = arith.constant 32 : i32
      %lt3A_335 = arith.cmpi slt, %add3A_333, %lt3A_334 : i32
      %convert_element_type3A_336 = arith.extui %lt3A_335 : i1 to i32
      %cond3A_337 = arith.constant 0 : i32
      %cond3A_338 = arith.cmpi ne, %convert_element_type3A_336, %cond3A_337 : i32
      scf.if %cond3A_338 {
        %add3A_340 = arith.constant 2 : i32
        %add3A_341 = arith.addi %add3A_277, %add3A_340 : i32
        %mul3A_342 = arith.constant 64 : i32
        %mul3A_343 = arith.muli %add3A_341, %mul3A_342 : i32
        %add3A_344 = arith.addi %add3A_4, %mul3A_343 : i32
        %dma_start3A_345 = arith.constant 1 : i32
        %dma_start3A_346 = arith.constant 0 : i32
        %dma_start3A_347 = arith.constant 0 : i32
        %dma_start3A_348 = tpu.memref_slice %arg5[%dma_start3A_345, %dma_start3A_346, %dma_start3A_347] : memref<4x64x128xf32, #tpu.memory_space<vmem>> -> memref<1x64x128xf32, #tpu.memory_space<vmem>>
        %dma_start3A_349 = tpu.memref_squeeze %dma_start3A_348 : memref<1x64x128xf32, #tpu.memory_space<vmem>> -> memref<64x128xf32, #tpu.memory_space<vmem>>
        %dma_start3A_350 = arith.constant 0 : i32
        %dma_start3A_351 = tpu.memref_slice %arg2[%add3A_344, %dma_start3A_350] : memref<262144x128xf32, #tpu.memory_space<hbm>> -> memref<64x128xf32, #tpu.memory_space<hbm>>
        %dma_start3A_352 = arith.constant 0 : i32
        %dma_start3A_353 = arith.constant 0 : i32
        %dma_start3A_354 = tpu.memref_slice %arg5[%dma_start3A_345, %dma_start3A_352, %dma_start3A_353] : memref<4x64x128xf32, #tpu.memory_space<vmem>> -> memref<1x64x128xf32, #tpu.memory_space<vmem>>
        %dma_start3A_355 = tpu.memref_squeeze %dma_start3A_354 : memref<1x64x128xf32, #tpu.memory_space<vmem>> -> memref<64x128xf32, #tpu.memory_space<vmem>>
        %dma_start3A_356 = arith.constant 0 : i32
        %dma_start3A_357 = tpu.memref_slice %arg2[%add3A_344, %dma_start3A_356] : memref<262144x128xf32, #tpu.memory_space<hbm>> -> memref<64x128xf32, #tpu.memory_space<hbm>>
        tpu.enqueue_dma source(%dma_start3A_357 : memref<64x128xf32, #tpu.memory_space<hbm>>) target(%dma_start3A_355 : memref<64x128xf32, #tpu.memory_space<vmem>>) target_semaphore(%arg8 : memref<!tpu.dma_semaphore, #tpu.memory_space<semaphore_mem>>)
        %dma_start3A_358 = arith.constant 1 : i32
        %dma_start3A_359 = arith.constant 0 : i32
        %dma_start3A_360 = arith.constant 0 : i32
        %dma_start3A_361 = tpu.memref_slice %arg6[%dma_start3A_358, %dma_start3A_359, %dma_start3A_360] : memref<4x64x128xi32, #tpu.memory_space<vmem>> -> memref<1x64x128xi32, #tpu.memory_space<vmem>>
        %dma_start3A_362 = tpu.memref_squeeze %dma_start3A_361 : memref<1x64x128xi32, #tpu.memory_space<vmem>> -> memref<64x128xi32, #tpu.memory_space<vmem>>
        %dma_start3A_363 = arith.constant 0 : i32
        %dma_start3A_364 = tpu.memref_slice %arg3[%add3A_344, %dma_start3A_363] : memref<262144x128xi32, #tpu.memory_space<hbm>> -> memref<64x128xi32, #tpu.memory_space<hbm>>
        %dma_start3A_365 = arith.constant 0 : i32
        %dma_start3A_366 = arith.constant 0 : i32
        %dma_start3A_367 = tpu.memref_slice %arg6[%dma_start3A_358, %dma_start3A_365, %dma_start3A_366] : memref<4x64x128xi32, #tpu.memory_space<vmem>> -> memref<1x64x128xi32, #tpu.memory_space<vmem>>
        %dma_start3A_368 = tpu.memref_squeeze %dma_start3A_367 : memref<1x64x128xi32, #tpu.memory_space<vmem>> -> memref<64x128xi32, #tpu.memory_space<vmem>>
        %dma_start3A_369 = arith.constant 0 : i32
        %dma_start3A_370 = tpu.memref_slice %arg3[%add3A_344, %dma_start3A_369] : memref<262144x128xi32, #tpu.memory_space<hbm>> -> memref<64x128xi32, #tpu.memory_space<hbm>>
        tpu.enqueue_dma source(%dma_start3A_370 : memref<64x128xi32, #tpu.memory_space<hbm>>) target(%dma_start3A_368 : memref<64x128xi32, #tpu.memory_space<vmem>>) target_semaphore(%arg8 : memref<!tpu.dma_semaphore, #tpu.memory_space<semaphore_mem>>)
      } else {
      }
      %scan3A_339 = arith.constant 0 : i32
      scf.yield %scan3A_339 : i32
    }
    %scan3A_67 = arith.constant 8 : i32
    %dma_wait3A = arith.constant 3 : i32
    %dma_wait3A_68 = arith.constant 0 : i32
    %dma_wait3A_69 = arith.constant 0 : i32
    %dma_wait3A_70 = tpu.memref_slice %arg5[%dma_wait3A, %dma_wait3A_68, %dma_wait3A_69] : memref<4x64x128xf32, #tpu.memory_space<vmem>> -> memref<1x64x128xf32, #tpu.memory_space<vmem>>
    %dma_wait3A_71 = tpu.memref_squeeze %dma_wait3A_70 : memref<1x64x128xf32, #tpu.memory_space<vmem>> -> memref<64x128xf32, #tpu.memory_space<vmem>>
    %dma_wait3A_72 = arith.constant 0 : i32
    %dma_wait3A_73 = arith.constant 0 : i32
    %dma_wait3A_74 = tpu.memref_slice %arg4[%dma_wait3A_72, %dma_wait3A_73] : memref<65536x128xf32, #tpu.memory_space<hbm>> -> memref<64x128xf32, #tpu.memory_space<hbm>>
    %dma_wait3A_75 = arith.constant 0 : i32
    %dma_wait3A_76 = arith.constant 0 : i32
    %dma_wait3A_77 = tpu.memref_slice %arg4[%dma_wait3A_75, %dma_wait3A_76] : memref<65536x128xf32, #tpu.memory_space<hbm>> -> memref<64x128xf32, #tpu.memory_space<hbm>>
    %dma_wait3A_78 = arith.constant 0 : i32
    %dma_wait3A_79 = arith.constant 0 : i32
    %dma_wait3A_80 = tpu.memref_slice %arg5[%dma_wait3A, %dma_wait3A_78, %dma_wait3A_79] : memref<4x64x128xf32, #tpu.memory_space<vmem>> -> memref<1x64x128xf32, #tpu.memory_space<vmem>>
    %dma_wait3A_81 = tpu.memref_squeeze %dma_wait3A_80 : memref<1x64x128xf32, #tpu.memory_space<vmem>> -> memref<64x128xf32, #tpu.memory_space<vmem>>
    tpu.wait_dma2 semaphore(%arg14 : memref<!tpu.dma_semaphore, #tpu.memory_space<semaphore_mem>>) src(%dma_wait3A_81 : memref<64x128xf32, #tpu.memory_space<vmem>>) dst(%dma_wait3A_77 : memref<64x128xf32, #tpu.memory_space<hbm>>)
    return
  }
}

module attributes {stable_mosaic.version = 14 : i64} {
  func.func @_saf_body_tc(%arg0: i32, %arg1: memref<8192x128xf32, #tpu.memory_space<vmem>>, %arg2: memref<8192x128xi32, #tpu.memory_space<vmem>>, %arg3: memref<8192x128xf32, #tpu.memory_space<vmem>>) attributes {dimension_semantics = [#tpu.dimension_semantics<arbitrary>], iteration_bounds = array<i64: 24>, scalar_prefetch = 0 : i64, scratch_operands = 0 : i64, tpu.core_type = #tpu.core_type<tc>, window_params = [{transform_indices = @transform_0, window_bounds = array<i64: 8192, 128>}, {transform_indices = @transform_1, window_bounds = array<i64: 8192, 128>}, {transform_indices = @transform_2, window_bounds = array<i64: 8192, 128>}]} {
    %get3A = arith.constant 0 : index
    %get3A_0 = arith.constant 0 : index
    %get3A_1 = vector.load %arg1[%get3A, %get3A_0] : memref<8192x128xf32, #tpu.memory_space<vmem>>, vector<8192x128xf32>
    %get3A_2 = arith.constant 0 : index
    %get3A_3 = arith.constant 0 : index
    %get3A_4 = vector.load %arg2[%get3A_2, %get3A_3] : memref<8192x128xi32, #tpu.memory_space<vmem>>, vector<8192x128xi32>
    %eq3A = arith.constant 1 : i32
    %eq3A_5 = vector.broadcast %eq3A : i32 to vector<8192x128xi32>
    %eq3A_6 = arith.cmpi eq, %get3A_4, %eq3A_5 : vector<8192x128xi32>
    %eq3A_7 = arith.constant 2 : i32
    %eq3A_8 = vector.broadcast %eq3A_7 : i32 to vector<8192x128xi32>
    %eq3A_9 = arith.cmpi eq, %get3A_4, %eq3A_8 : vector<8192x128xi32>
    %eq3A_10 = arith.constant 3 : i32
    %eq3A_11 = vector.broadcast %eq3A_10 : i32 to vector<8192x128xi32>
    %eq3A_12 = arith.cmpi eq, %get3A_4, %eq3A_11 : vector<8192x128xi32>
    %jit3A = arith.constant 2.000000e-03 : f32
    %jit3A_13 = arith.constant 3.000000e-06 : f32
    %broadcast_in_dim3A = vector.broadcast %jit3A : f32 to vector<8192x128xf32>
    %broadcast_in_dim3A_14 = vector.broadcast %jit3A_13 : f32 to vector<8192x128xf32>
    %select_n3A = arith.select %eq3A_12, %broadcast_in_dim3A, %broadcast_in_dim3A_14 : vector<8192x128xi1>, vector<8192x128xf32>
    %jit3A_15 = arith.constant 1.000000e-03 : f32
    %broadcast_in_dim3A_16 = vector.broadcast %jit3A_15 : f32 to vector<8192x128xf32>
    %select_n3A_17 = arith.select %eq3A_9, %broadcast_in_dim3A_16, %select_n3A : vector<8192x128xi1>, vector<8192x128xf32>
    %jit3A_18 = arith.constant 3.000000e-03 : f32
    %broadcast_in_dim3A_19 = vector.broadcast %jit3A_18 : f32 to vector<8192x128xf32>
    %select_n3A_20 = arith.select %eq3A_6, %broadcast_in_dim3A_19, %select_n3A_17 : vector<8192x128xi1>, vector<8192x128xf32>
    %eq3A_21 = arith.constant 0 : i32
    %eq3A_22 = vector.broadcast %eq3A_21 : i32 to vector<8192x128xi32>
    %eq3A_23 = arith.cmpi eq, %get3A_4, %eq3A_22 : vector<8192x128xi32>
    %select_n3A_24 = arith.select %eq3A_23, %get3A_1, %select_n3A_20 : vector<8192x128xi1>, vector<8192x128xf32>
    %swap3A = arith.constant 0 : index
    %swap3A_25 = arith.constant 0 : index
    %swap3A_26 = vector.load %arg3[%swap3A, %swap3A_25] : memref<8192x128xf32, #tpu.memory_space<vmem>>, vector<8192x128xf32>
    tpu.vector_store %arg3[%swap3A, %swap3A_25], %select_n3A_24 {strides = array<i32>} : memref<8192x128xf32, #tpu.memory_space<vmem>>, vector<8192x128xf32>,
    return
  }
  func.func @transform_0(%arg0: i32) -> (i32, i32) {
    %c0_i32 = arith.constant 0 : i32
    %c0_i32_0 = arith.constant 0 : i32
    return %arg0, %c0_i32 : i32, i32
  }
  func.func @transform_1(%arg0: i32) -> (i32, i32) {
    %c0_i32 = arith.constant 0 : i32
    %c0_i32_0 = arith.constant 0 : i32
    return %arg0, %c0_i32 : i32, i32
  }
  func.func @transform_2(%arg0: i32) -> (i32, i32) {
    %c0_i32 = arith.constant 0 : i32
    %c0_i32_0 = arith.constant 0 : i32
    return %arg0, %c0_i32 : i32, i32
  }
}

</mosaic_0001>

<sc_bundles>
// kernel: kernel.4.cloned.1.call-start
scs
__scs_entry_jumppad:
0x0: {  	(pc) =	sbr.rel $0x88, $3  }
0x1: {  	(tag) =	ssettag $0x0;
	lr =	simm.s32 $0x1  }
0x2: {  	[smem:$0x3F9F] =	sst lr;
	_ =	strace $0xD0000000  }
0x3: {  	_ = 	snop  }
0x4: {  	_ = 	snop  }
0x5: {  	_ = 	snop  }
0x6: {  	_ = 	snop  }
0x7: {  	_ = 	snop  }
__scs_overlays_trampoline_lowered:
0x8: {  	[smem:$0x3FAE] =	sst s0  }
0x9: {  	[smem:$0x3FAF] =	sst s1  }
0xa: {  	[smem:$0x3FB0] =	sst s2  }
0xb: {  	[smem:$0x3FB1] =	sst s3  }
0xc: {  	[smem:$0x3FB2] =	sst s4  }
0xd: {  	[smem:$0x3FB3] =	sst s5  }
0xe: {  	[smem:$0x3FB4] =	sst s6  }
0xf: {  	[smem:$0x3FB5] =	sst s7  }
0x10: {  	[smem:$0x3FB6] =	sst s8  }
0x11: {  	[smem:$0x3FB7] =	sst s9;
	s0 =	simm.s32 @!p0 $0x0  }
0x12: {  	s1 =	sld [smem:$0x3F9D];
	s0 =	simm.s32 @p0 $0x1  }
0x13: {  	[smem:$0x3FB8] =	sst s0;
	s0 =	simm.s32 @!p1 $0x0  }
0x14: {  	s2 =	sld [smem:$0x3F9C];
	s0 =	simm.s32 @p1 $0x1  }
0x15: {  	[smem:$0x3FB9] =	sst s0;
	s0 =	simm.s32 @!p2 $0x0  }
0x16: {  	s3 =	sld [smem:$0x3FDB];
	s0 =	simm.s32 @p2 $0x1  }
0x17: {  	s4 =	simm.s32 $0x1BF5;
	[smem:$0x3FBB] =	sst s0  }
0x18: {  	s0 =	sld [smem:$0x3F9E];
	_ =	swait.ge [sflag:s4], $0x0  }
0x19: {  	s7 =	sld [smem:$0x3F9F]  }
0x1a: {  	s8 =	sadd.s32 $0xFFFFE003, lr  }
0x1b: {  	s9 =	sadd.s32 $0xFFFFFEF7, lr;
	s5 =	simm.s32 $0xFFFFFFFF;
	p2 =	slt.u32 s8, $0xFFFFF086  }
0x1c: {  	p1 =	slt.u32 s9, $0xF7A;
	s5 =	simm.s32 @!p2 $0x0  }
0x1d: {  	s5 =	simm.s32 @p1 $0x1;
	p0 =	seq.s32 s7, s2  }
0x1e: {  	s7 =	smul.u32 @!p0 $0xF7A, s2;
	p2 =	seq.s32 @!p0 s5, $0x0  }
0x1f: {  	s9 =	smul.u32 $0xF7A, s1;
	s8 =	simm.s32 @!p0 $0x1BF5;
	p2 =	por !p2, p0  }
0x20: {  	[sflag:s8] =	ssyncset.s32 @!p0 $0xFFFFF086;
	s6 =	sadd.s32 @!p0 s3, s7;
	s7 =	simm.s32 @!p0 $0x108  }
0x21: {  	s3 =	sadd.s32 s3, s9;
	s6 =	sadd.s32 @!p0 $0x88, s6;
	s7 =	simm.s32 @p2 $0x1082  }
0x22: {  	[simem:s7], [sflag:s8] =	dma.local @!p0 [hbm:s6], $0xF7A  }
0x23: {  	s9 =	sor.u32 $0xD0000000, s2;
	s6 =	simm.s32 $0x108;
	_ =	swait.ge @!p0 [sflag:s8], $0x0  }
0x24: {  	s3 =	sadd.s32 $0x88, s3;
	s6 =	simm.s32 @!p1 $0x1082;
	[sflag:s4] =	ssyncset.s32 $0xFFFFF086  }
0x25: {  	[simem:s6], [sflag:s4] =	dma.local [hbm:s3], $0xF7A  }
0x26: {  	[smem:$0x3F9F] =	sst s1;
	(tag) =	ssettag s2;
	_ =	strace s9  }
0x27: {  	s1 =	sld [smem:$0x3FAF]  }
0x28: {  	s2 =	sld [smem:$0x3FB0]  }
0x29: {  	s4 =	sld [smem:$0x3FB2]  }
0x2a: {  	p0 =	seq.s32 s5, $0x0;
	s5 =	sld [smem:$0x3FB3]  }
0x2b: {  	s6 =	sld [smem:$0x3FB4]  }
0x2c: {  	s7 =	sld [smem:$0x3FB5]  }
0x2d: {  	s3 =	simm.s32 $0x108;
	s8 =	sld [smem:$0x3FB6]  }
0x2e: {  	s3 =	simm.s32 @!p0 $0x1082;
	s9 =	sld [smem:$0x3FB7]  }
0x2f: {  	lr =	sadd.s32 s0, s3;
	s0 =	sld [smem:$0x3FAE]  }
0x30: {  	s3 =	sld [smem:$0x3FB1]  }
0x31: {  	[smem:$0x3FBA] =	sst s10  }
0x32: {  	s10 =	sld [smem:$0x3FB8];
	_ =	sdelay $0x3  }
0x33: {  	p0 =	seq.s32 s10, $0x1;
	s10 =	sld [smem:$0x3FBA];
	_ =	sdelay $0x3  }
0x34: {  	[smem:$0x3FBA] =	sst s10  }
0x35: {  	s10 =	sld [smem:$0x3FB9];
	_ =	sdelay $0x3  }
0x36: {  	p1 =	seq.s32 s10, $0x1;
	s10 =	sld [smem:$0x3FBA];
	_ =	sdelay $0x3  }
0x37: {  	[smem:$0x3FBA] =	sst s10  }
0x38: {  	s10 =	sld [smem:$0x3FBB]  }
0x39: {  	_ = 	snop;
	(pc) =	sbr.ind lr, $3  }
0x3a: {  	_ = 	snop  }
0x3b: {  	_ = 	snop  }
0x3c: {  	p2 =	seq.s32 s10, $0x1;
	s10 =	sld [smem:$0x3FBA]  }
0x3d: {  	_ =	shalt  }
0x3e: {  	_ =	shalt  }
0x3f: {  	_ =	shalt  }
0x40: {  	_ =	shalt  }
0x41: {  	_ =	shalt  }
0x42: {  	_ =	shalt  }
0x43: {  	_ =	shalt  }
0x44: {  	_ =	shalt  }
0x45: {  	_ =	shalt  }
0x46: {  	_ =	shalt  }
0x47: {  	_ =	shalt  }
0x48: {  	_ =	shalt  }
0x49: {  	_ =	shalt  }
0x4a: {  	_ =	shalt  }
0x4b: {  	_ =	shalt  }
0x4c: {  	_ =	shalt  }
0x4d: {  	_ =	shalt  }
0x4e: {  	_ =	shalt  }
0x4f: {  	_ =	shalt  }
0x50: {  	_ =	shalt  }
0x51: {  	_ =	shalt  }
0x52: {  	_ =	shalt  }
0x53: {  	_ =	shalt  }
0x54: {  	_ =	shalt  }
0x55: {  	_ =	shalt  }
0x56: {  	_ =	shalt  }
0x57: {  	_ =	shalt  }
0x58: {  	_ =	shalt  }
0x59: {  	_ =	shalt  }
0x5a: {  	_ =	shalt  }
0x5b: {  	_ =	shalt  }
0x5c: {  	_ =	shalt  }
0x5d: {  	_ =	shalt  }
0x5e: {  	_ =	shalt  }
0x5f: {  	_ =	shalt  }
0x60: {  	_ =	shalt  }
0x61: {  	_ =	shalt  }
0x62: {  	_ =	shalt  }
0x63: {  	_ =	shalt  }
0x64: {  	_ =	shalt  }
0x65: {  	_ =	shalt  }
0x66: {  	_ =	shalt  }
0x67: {  	_ =	shalt  }
0x68: {  	_ =	shalt  }
0x69: {  	_ =	shalt  }
0x6a: {  	_ =	shalt  }
0x6b: {  	_ =	shalt  }
0x6c: {  	_ =	shalt  }
0x6d: {  	_ =	shalt  }
0x6e: {  	_ =	shalt  }
0x6f: {  	_ =	shalt  }
0x70: {  	_ =	shalt  }
0x71: {  	_ =	shalt  }
0x72: {  	_ =	shalt  }
0x73: {  	_ =	shalt  }
0x74: {  	_ =	shalt  }
0x75: {  	_ =	shalt  }
0x76: {  	_ =	shalt  }
0x77: {  	_ =	shalt  }
0x78: {  	_ =	shalt  }
0x79: {  	_ =	shalt  }
0x7a: {  	_ =	shalt  }
0x7b: {  	_ =	shalt  }
0x7c: {  	_ =	shalt  }
0x7d: {  	_ =	shalt  }
0x7e: {  	_ =	shalt  }
0x7f: {  	_ =	shalt  }
0x80: {  	_ =	shalt  }
0x81: {  	_ =	shalt  }
0x82: {  	_ =	shalt  }
0x83: {  	_ =	shalt  }
0x84: {  	_ =	shalt  }
0x85: {  	_ =	shalt  }
0x86: {  	_ =	shalt  }
0x87: {  	_ =	shalt  }
.Lfunc_end0:
.L_simem_size_0:
called_computation_lowered:
.L_overlay_start_0:
0x88: {  	s2 =	sld [smem:$0x3FD9]  }
0x89: {  	s3 =	sld [smem:$0x3FFE];
	_ =	sdelay $0x1  }
0x8a: {  	s1 =	srdreg.scid  }
0x8b: {  	s0 =	sand.u32 $0x1, s1  }
0x8c: {  	s15 =	sshll.u32 s0, $0xA;
	s2 =	sadd.s32 s3, s2  }
0x8d: {  	s2 =	sadd.s32 s2, s15  }
0x8e: {  	[smem:$0x3FC6] =	sst s2  }
0x8f: {  	_ = 	snop  }
0x90: {  	s2 =	sld [smem:$0x3FD0];
	_ =	sdelay $0x1  }
0x91: {  	s16 =	sld [smem:$0x3FC9]  }
0x92: {  	s5 =	simm.s32 $0xA;
	s6 =	simm.s32 $0x10;
	s4 =	sld [smem:$0x3FC8]  }
0x93: {  	[smem:s6], [sflag:s5] =	dma.local [hbm:s2], $0x1  }
0x94: {  	_ =	swait.eq [sflag:s5], $0x1  }
0x95: {  	[sflag:s5] =	ssyncset.done $0x0  }
0x96: {  	[sflag:s5] =	ssyncadd.s32 $0xFFFFFFFF  }
0x97: {  	s17 =	sld [smem:$0x11];
	(tm) =	ssettm $0x1  }
0x98: {  	s18 =	sld [smem:$0x3FFB];
	_ =	sdelay $0x3  }
0x99: {  	_ =	strace s18  }
0x9a: {  	s5 =	sld [smem:$0x3FFC];
	_ =	sdelay $0x3  }
0x9b: {  	_ =	strace s5  }
0x9c: {  	s5 =	sld [smem:$0x3FFD];
	_ =	sdelay $0x3  }
0x9d: {  	_ =	strace s5  }
0x9e: {  	_ =	strace $0x8FFFFFFF  }
0x9f: {  	s19 =	sld [smem:$0x3FDB];
	_ =	sdelay $0x1  }
0xa0: {  	s20 =	simm.s32 $_scs_section_size  }
0xa1: {  	s7 =	simm.s32 $_size__tile_overlayer_lowered;
	s8 =	simm.s32 $_tile_overlayer_lowered  }
0xa2: {  	s23 =	simm.s32 $0x1BFF;
	s22 =	sshll.u32 s8, $0x1;
	s5 =	sadd.s32 s20, s19  }
0xa3: {  	s9 =	simm.s32 $0x0;
	s21 =	sshll.u32 s7, $0x1;
	s7 =	sadd.s32 s22, s5  }
0xa4: {  	[timem:s9], [sflag:s23] =	dma.local [hbm:s7], s21  }
0xa5: {  	_ =	swait.ge [sflag:s23], s21  }
0xa6: {  	s6 =	ssub.s32 $0x0, s21;
	[sflag:s23] =	ssyncset.done $0x0  }
0xa7: {  	[sflag:s23] =	ssyncadd.s32 s6;
	_ =	sdelay $0x1  }
0xa8: {  	s24 =	simm.s32 $0x1B8B  }
0xa9: {  	_ =	swait.ge [sflag:s24], $0x1  }
0xaa: {  	[sflag:s24] =	ssyncset.done $0x0  }
0xab: {  	s25 =	simm.s32 $0x1B8E;
	[sflag:s24] =	ssyncadd.s32 $0xFFFFFFFF  }
0xac: {  	s26 =	simm.s32 $execute0_lowered;
	[smem:$0x3FD2] =	sst s25  }
0xad: {  	s6 =	sshll.u32 s26, $0x1;
	_ =	strace $0x80000046;
	[dreg:$0x1] =	wrdreg $0xFFFFFFFF  }
0xae: {  	s28 =	simm.s32 $_size_execute0_lowered;
	s5 =	sadd.s32 s5, s6;
	[dreg:$0x0] =	wrdreg $0x0  }
0xaf: {  	s6 =	sshll.u32 s28, $0x1;
	[dreg:$0x2] =	wrdreg s5  }
0xb0: {  	[dreg:$0x3] =	wrdreg s6  }
0xb1: {  	[dreg:$0x4] =	wrdreg $0xC0  }
0xb2: {  	_ =	task [dreg:s9], $0x5FFFF  }
0xb3: {  	[dreg:$0x1] =	wrdreg $0xFFFFFFFF  }
0xb4: {  	[dreg:$0x0] =	wrdreg $0x60  }
0xb5: {  	[dreg:$0x2] =	wrdreg s16  }
0xb6: {  	[dreg:$0x3] =	wrdreg s4  }
0xb7: {  	[dreg:$0x4] =	wrdreg s17  }
0xb8: {  	[dreg:$0x5] =	wrdreg $0x9  }
0xb9: {  	_ =	task.clear_ibuf [dreg:s9], $0x6FFFF;
	_ =	strace $0x90000046  }
0xba: {  	s29 =	simm.s32 $0x9;
	_ =	strace $0x80000048  }
0xbb: {  	_ =	swait.ge [sflag:s29], $0x1  }
0xbc: {  	[sflag:s29] =	ssyncadd.s32 $0xFFFFFFFF  }
0xbd: {  	_ =	strace $0x90000048  }
0xbe: {  	_ =	sfence  }
0xbf: {  	s30 =	sld [smem:$0x0];
	_ =	sdelay $0x2  }
0xc0: {  	s31 =	sshll.u32 s1, $0xD;
	s1 =	sshrl.u32 s1, $0x2  }
0xc1: {  	s3 =	sand.u32 $0x4000, s31;
	s1 =	sadd.s32 s1, s30  }
0xc2: {  	s0 =	sor.u32 s3, s0;
	s1 =	sshll.u32 s1, $0x11  }
0xc3: {  	s0 =	sor.u32 s1, s0  }
0xc4: {  	s0 =	sadd.s32 $0x8F2B, s0  }
0xc5: {  	[sflag:s0] =	ssyncadd.remote.s32 $0x1  }
0xc6: {  	_ =	sfence.sel $0xFFFF  }
0xc7: {  	[dreg:$0x0] =	wrdreg $0xFFFFFFFF;
	(pc) =	sbr.abs _section_cstart, $3  }
0xc8: {  	[dreg:$0x1] =	wrdreg $0xFFFFFFFF  }
0xc9: {  	_ =	task.clear_ibuf [dreg:s9], $0x2FFFF;
	_ =	strace $0x9FFFFFFF  }
0xca: {  	(tm) =	ssettm $0x7FFFFFFF  }
0xcb: {  	_ =	shalt  }
tec
execute0_lowered:
.L_overlay_start_1:
0x0: {  	(tag) =	ssettag $0x1  }
0x1: {  	s1 =	rddreg [dreg:$0x0]  }
0x2: {  	s3 =	rddreg [dreg:$0x1]  }
0x3: {  	s4 =	rddreg [dreg:$0x2];
	s0 =	srdreg.scid  }
0x4: {  	s2 =	stileid.u32;
	s5 =	simm.s32 $0x0;
	s18 =	simm.s32 $0x2000  }
0x5: {  	s19 =	simm.s32 $0xA000;
	s20 =	simm.s32 $0x1;
	s21 =	simm.s32 $0x4000  }
0x6: {  	s22 =	simm.s32 $0xC000;
	s28 =	simm.s32 $0x3;
	s29 =	simm.s32 $0x6  }
0x7: {  	s30 =	simm.s32 $0x4;
	s31 =	simm.s32 $0x7;
	s0 =	sand.u32 $0x1, s0  }
0x8: {  	s2 =	sshll.u32 s2, $0x10;
	[smem:$0x7FF] =	sst s5;
	s6 =	sshll.u32 s0, $0xF  }
0x9: {  	s12 =	sadd.s32 $0x400, s4;
	s0 =	ssub.s32 $0x2, s0;
	s6 =	sor.u32 s6, s2  }
0xa: {  	_ =	strace $0x80000047;
	s23 =	sshrl.u32 s0, $0x1;
	s7 =	sor.u32 $0x300000, s6  }
0xb: {  	s0 =	ssub.s32 s0, s23;
	s25 =	sor.u32 $0x300400, s6;
	s24 =	sadd.s32 s1, s7  }
0xc: {  	s13 =	sadd.s32 s4, s6;
	s8 =	sadd.s32 s3, s7;
	[dreg:$0x4] =	wrdreg s24  }
.Ltmp0:
0xd: {  	s26 =	sadd.s32 s1, s25;
	[dreg:$0x5] =	wrdreg s8;
	(pc) =	sbr.rel .LBB2_1-.Ltmp0, $4  }
0xe: {  	s14 =	sor.u32 $0x301000, s6;
	s2 =	sadd.s32 s3, s25;
	[dreg:$0x6] =	wrdreg s26  }
0xf: {  	s15 =	sor.u32 $0x301400, s6;
	s0 =	smax.u32 s0, $0x1;
	[dreg:$0x7] =	wrdreg s2  }
0x10: {  	s23 =	simm.s32 $0x2;
	s25 =	simm.s32 $0x6000;
	[dreg:$0x8] =	wrdreg s0  }
0x11: {  	v0 =	vimm.f32 $3.000000110e-06;
	s24 =	simm.s32 $0x5;
	s26 =	simm.s32 $0xE000;
	s8 =	simm.s32 $0x0  }
.LBB2_12:
0x12: {  	s2 =	simm.s32 $0x8  }
0x13: {  	_ =	swait.ge [sflag:s2], $0x2000  }
0x14: {  	s8 =	rddreg [dreg:$0x9]  }
0x15: {  	s0 =	rddreg [dreg:$0x8];
	s8 =	sadd.s32 $0x1, s8  }
0x16: {  	p0 =	sne.s32 s8, s0  }
.Ltmp1:
0x17: {  	_ = 	snop;
	(pc) =	sbr.rel @!p0 .LBB2_13-.Ltmp1, $3  }
0x18: {  	_ =	sdelay $0x1  }
0x19: {  	[sflag:s2] =	ssyncset.done $0x0  }
0x1a: {  	[sflag:s2] =	ssyncadd.s32 $0xFFFFE000  }
.LBB2_1:
0x1b: {  	s0 =	rddreg [dreg:$0x4]  }
0x1c: {  	[tilespmem:s5], [sflag:$0x1] =	stream.linear.gather [hbm4b:s0+s5], $0x2000, $0x38;
	[tilespmem:$0x10000] =	vst v63  }
0x1d: {  	s11 =	rddreg [dreg:$0x5];
	s2 =	simm.s32 $0x8000  }
0x1e: {  	[tilespmem:s2], [sflag:$0x1] =	stream.linear.gather [hbm4b:s11+s5], $0x2000, $0x38;
	[tilespmem:$0x10000] =	vst v63  }
0x1f: {  	s16 =	rddreg [dreg:$0x6]  }
0x20: {  	[tilespmem:s18], [sflag:$0x2] =	stream.linear.gather [hbm4b:s16+s5], $0x2000, $0x38;
	[tilespmem:$0x10000] =	vst v63  }
0x21: {  	s17 =	rddreg [dreg:$0x7]  }
0x22: {  	[tilespmem:s19], [sflag:$0x2] =	stream.linear.gather [hbm4b:s17+s5], $0x2000, $0x38;
	[tilespmem:$0x10000] =	vst v63  }
0x23: {  	[dreg:$0x9] =	wrdreg s8;
	s17 =	simm.s32 $0x0  }
.LBB2_2:
0x24: {  	_ =	swait.ge [sflag:s20], $0x2000  }
0x25: {  	[sflag:s20] =	ssyncset.done $0x0  }
0x26: {  	[sflag:s20] =	ssyncadd.s32 $0xFFFFE000  }
0x27: {  	_ =	swait.ge [sflag:s20], $0x2000  }
0x28: {  	[sflag:s20] =	ssyncset.done $0x0  }
0x29: {  	s0 =	simm.s32 $0x8040;
	[sflag:s20] =	ssyncadd.s32 $0xFFFFE000  }
0x2a: {  	v8 =	vld [tilespmem:s0+$0x30]  }
0x2b: {  	v1 =	vld [tilespmem:s0+$0xFFFFFFC0]  }
0x2c: {  	v4 =	vld [tilespmem:s0+$0xFFFFFFF0]  }
0x2d: {  	v5 =	vld [tilespmem:s0+$0x0]  }
0x2e: {  	v6 =	vld [tilespmem:s0+$0x10];
	_ =	sdelay $0x1  }
0x2f: {  	v2 =	vld [tilespmem:s0+$0xFFFFFFD0]  }
0x30: {  	v3 =	vld [tilespmem:s0+$0xFFFFFFE0];
	vm0 =	veq.s32 v8, $0x3  }
0x31: {  	vm1 =	veq.s32 v1, $0x3;
	vm2 =	veq.s32 v8, $0x2;
	vm3 =	veq.s32 v8, $0x1  }
0x32: {  	vm4 =	veq.s32 v4, $0x2;
	vm5 =	veq.s32 v5, $0x2;
	vm6 =	veq.s32 v6, $0x2  }
0x33: {  	s9 =	simm.s32 $0x40;
	vm13 =	veq.s32 v4, $0x1;
	vm14 =	veq.s32 v5, $0x1;
	vm15 =	veq.s32 v6, $0x1  }
0x34: {  	v9 =	vld [tilespmem:s9+$0x30];
	v7 =	vsel vm0, $0x3B03126F, v0;
	vm0 =	veq.s32 v2, $0x3;
	v11 =	vsel vm1, $0x3B03126F, v0  }
0x35: {  	vm1 =	veq.s32 v4, $0x3;
	v10 =	vsel vm2, $0x3A83126F, v7;
	vm2 =	veq.s32 v3, $0x3  }
0x36: {  	v12 =	vsel vm0, $0x3B03126F, v0;
	vm0 =	veq.s32 v1, $0x2;
	v13 =	vsel vm1, $0x3B03126F, v0  }
0x37: {  	vm1 =	veq.s32 v5, $0x3;
	v10 =	vsel vm3, $0x3B449BA6, v10;
	vm3 =	veq.s32 v8, $0x0  }
0x38: {  	v7 =	vld [tilespmem:s0+$0x20];
	v14 =	vsel vm1, $0x3B03126F, v0;
	vm1 =	veq.s32 v6, $0x3;
	v18 =	vsel vm0, $0x3A83126F, v11  }
0x39: {  	v22 =	vsel vm4, $0x3A83126F, v13;
	v15 =	vsel vm3, v9, v10;
	v10 =	vsel vm2, $0x3B03126F, v0  }
0x3a: {  	v8 =	vld [tilespmem:s9+$0xFFFFFFD0];
	vm2 =	veq.s32 v2, $0x2;
	vm3 =	veq.s32 v3, $0x2;
	v16 =	vsel vm1, $0x3B03126F, v0  }
0x3b: {  	v11 =	vld [tilespmem:s9+$0x0];
	v23 =	vsel vm5, $0x3A83126F, v14;
	v19 =	vsel vm2, $0x3A83126F, v12;
	v20 =	vsel vm3, $0x3A83126F, v10  }
0x3c: {  	v13 =	vld [tilespmem:s9+$0x20];
	v16 =	vsel vm6, $0x3A83126F, v16;
	vm2 =	veq.s32 v2, $0x1;
	vm3 =	veq.s32 v3, $0x1  }
0x3d: {  	v9 =	vld [tilespmem:s9+$0xFFFFFFE0];
	v19 =	vsel vm2, $0x3B449BA6, v19;
	v16 =	vsel vm15, $0x3B449BA6, v16;
	vm1 =	veq.s32 v7, $0x3  }
0x3e: {  	[tilespmem:s9+$0x30] =	vst v15;
	v15 =	vld [tilespmem:s9+$0xFFFFFFC0];
	vm0 =	veq.s32 v7, $0x2;
	v17 =	vsel vm1, $0x3B03126F, v0;
	vm1 =	veq.s32 v1, $0x1  }
0x3f: {  	v10 =	vld [tilespmem:s9+$0xFFFFFFF0];
	v14 =	vsel vm0, $0x3A83126F, v17;
	vm0 =	veq.s32 v7, $0x1;
	v21 =	vsel vm1, $0x3B449BA6, v18  }
0x40: {  	s8 =	simm.s32 $0x0;
	s10 =	simm.s32 $0x80C0;
	s0 =	simm.s32 $0x40;
	v12 =	vld [tilespmem:s9+$0x10];
	v18 =	vsel vm3, $0x3B449BA6, v20;
	v20 =	vsel vm13, $0x3B449BA6, v22;
	v17 =	vsel vm14, $0x3B449BA6, v23  }
.LBB2_3:
0x41: {  	v22 =	vld [tilespmem:s10+$0x30];
	s8 =	sadd.s32 $0x8, s8;
	vm1 =	veq.s32 v1, $0x0;
	vm2 =	veq.s32 v2, $0x0;
	v14 =	vsel vm0, $0x3B449BA6, v14  }
0x42: {  	vm0 =	veq.s32 v3, $0x0;
	vm3 =	veq.s32 v4, $0x0;
	vm4 =	veq.s32 v5, $0x0;
	v1 =	vld [tilespmem:s10+$0xFFFFFFC0];
	p0 =	slt.u32 s8, $0x1F8  }
0x43: {  	vm5 =	veq.s32 v7, $0x0;
	v4 =	vsel vm1, v15, v21;
	vm1 =	veq.s32 v6, $0x0;
	v2 =	vld [tilespmem:s10+$0xFFFFFFD0]  }
0x44: {  	s0 =	sadd.s32 $0x80, s0;
	v5 =	vsel vm0, v9, v18;
	v6 =	vsel vm3, v10, v20;
	v3 =	vld [tilespmem:s10+$0xFFFFFFE0];
	[tilespmem:s9+$0xFFFFFFC0] =	vst v4;
	v4 =	vsel vm2, v8, v19  }
0x45: {  	v7 =	vsel vm4, v11, v17;
	v10 =	vsel vm5, v13, v14;
	v8 =	vsel vm1, v12, v16;
	v9 =	vld [tilespmem:s0+$0x30];
	[tilespmem:s9+$0xFFFFFFD0] =	vst v4  }
0x46: {  	v4 =	vld [tilespmem:s10+$0xFFFFFFF0];
	vm0 =	veq.s32 v22, $0x3;
	[tilespmem:s9+$0xFFFFFFE0] =	vst v5  }
0x47: {  	vm2 =	veq.s32 v22, $0x2;
	vm1 =	veq.s32 v1, $0x3;
	v5 =	vld [tilespmem:s10+$0x0];
	v11 =	vsel vm0, $0x3B03126F, v0;
	[tilespmem:s9+$0xFFFFFFF0] =	vst v6  }
0x48: {  	vm3 =	veq.s32 v22, $0x1;
	vm0 =	veq.s32 v2, $0x3;
	v6 =	vld [tilespmem:s10+$0x10];
	v11 =	vsel vm2, $0x3A83126F, v11;
	[tilespmem:s9+$0x0] =	vst v7  }
0x49: {  	vm2 =	veq.s32 v3, $0x3;
	v7 =	vld [tilespmem:s10+$0x20];
	v11 =	vsel vm3, $0x3B449BA6, v11;
	vm3 =	veq.s32 v22, $0x0;
	[tilespmem:s9+$0x10] =	vst v8  }
0x4a: {  	v14 =	vsel vm1, $0x3B03126F, v0;
	v16 =	vsel vm0, $0x3B03126F, v0;
	v8 =	vld [tilespmem:s0+$0xFFFFFFD0];
	v11 =	vsel vm3, v9, v11;
	[tilespmem:s9+$0x20] =	vst v10;
	s9 =	smov.u32 s0  }
0x4b: {  	vm0 =	veq.s32 v1, $0x2;
	v17 =	vsel vm2, $0x3B03126F, v0;
	v9 =	vld [tilespmem:s0+$0xFFFFFFE0];
	vm1 =	veq.s32 v4, $0x3;
	[tilespmem:s0+$0x30] =	vst v11  }
0x4c: {  	vm2 =	veq.s32 v2, $0x2;
	v10 =	vld [tilespmem:s0+$0xFFFFFFF0];
	v18 =	vsel vm1, $0x3B03126F, v0;
	vm1 =	veq.s32 v5, $0x3  }
0x4d: {  	vm3 =	veq.s32 v3, $0x2;
	v11 =	vld [tilespmem:s0+$0x0];
	v19 =	vsel vm1, $0x3B03126F, v0;
	vm1 =	veq.s32 v6, $0x3  }
0x4e: {  	vm4 =	veq.s32 v4, $0x2;
	v12 =	vld [tilespmem:s0+$0x10];
	v20 =	vsel vm1, $0x3B03126F, v0;
	vm1 =	veq.s32 v7, $0x3  }
0x4f: {  	vm5 =	veq.s32 v5, $0x2;
	vm6 =	veq.s32 v6, $0x2;
	v13 =	vld [tilespmem:s0+$0x20];
	v21 =	vsel vm1, $0x3B03126F, v0  }
0x50: {  	v22 =	vsel vm0, $0x3A83126F, v14;
	v16 =	vsel vm2, $0x3A83126F, v16;
	vm0 =	veq.s32 v7, $0x2;
	v15 =	vld [tilespmem:s0+$0xFFFFFFC0]  }
0x51: {  	v17 =	vsel vm3, $0x3A83126F, v17;
	v23 =	vsel vm4, $0x3A83126F, v18;
	v24 =	vsel vm5, $0x3A83126F, v19  }
.Ltmp2:
0x52: {  	vm1 =	veq.s32 v1, $0x1;
	v25 =	vsel vm6, $0x3A83126F, v20;
	v14 =	vsel vm0, $0x3A83126F, v21;
	(pc) =	sbr.rel @p0 .LBB2_3-.Ltmp2, $4  }
0x53: {  	vm2 =	veq.s32 v2, $0x1;
	vm3 =	veq.s32 v3, $0x1;
	vm4 =	veq.s32 v4, $0x1  }
0x54: {  	vm5 =	veq.s32 v5, $0x1;
	vm6 =	veq.s32 v6, $0x1;
	vm0 =	veq.s32 v7, $0x1  }
0x55: {  	v18 =	vsel vm3, $0x3B449BA6, v17;
	v19 =	vsel vm2, $0x3B449BA6, v16;
	v21 =	vsel vm1, $0x3B449BA6, v22  }
0x56: {  	s10 =	sadd.s32 $0x80, s10;
	v20 =	vsel vm4, $0x3B449BA6, v23;
	v17 =	vsel vm5, $0x3B449BA6, v24;
	v16 =	vsel vm6, $0x3B449BA6, v25  }
0x57: {  	vm1 =	veq.s32 v1, $0x0  }
0x58: {  	vm2 =	veq.s32 v2, $0x0;
	v1 =	vsel vm1, v15, v21  }
0x59: {  	vm1 =	veq.s32 v3, $0x0;
	[tilespmem:s9+$0xFFFFFFC0] =	vst v1;
	v1 =	vsel vm2, v8, v19  }
0x5a: {  	vm2 =	veq.s32 v4, $0x0;
	v2 =	vsel vm1, v9, v18;
	[tilespmem:s9+$0xFFFFFFD0] =	vst v1  }
0x5b: {  	vm1 =	veq.s32 v5, $0x0;
	v1 =	vsel vm2, v10, v20;
	[tilespmem:s9+$0xFFFFFFE0] =	vst v2  }
0x5c: {  	vm2 =	veq.s32 v6, $0x0;
	v2 =	vsel vm1, v11, v17;
	[tilespmem:s9+$0xFFFFFFF0] =	vst v1  }
0x5d: {  	s8 =	sshll.u32 s17, $0xC;
	v1 =	vsel vm0, $0x3B449BA6, v14;
	vm0 =	veq.s32 v7, $0x0;
	v3 =	vsel vm2, v12, v16;
	[tilespmem:s9+$0x0] =	vst v2  }
0x5e: {  	s10 =	sor.u32 s6, s8;
	v1 =	vsel vm0, v13, v1;
	[tilespmem:s9+$0x10] =	vst v3  }
0x5f: {  	p0 =	seq.s32 s17, $0x0;
	s0 =	sadd.s32 s4, s10;
	[tilespmem:s9+$0x20] =	vst v1  }
0x60: {  	[hbm4b:s0+s5] =	stream.linear.scatter [tilespmem:s5], [sflag:$0x5], $0x2000, $0x38;
	[tilespmem:$0x10000] =	vst v63  }
0x61: {  	s0 =	simm.s32 @!p0 $0x8  }
0x62: {  	s9 =	sor.u32 $0x800, s8;
	_ =	swait.ge @!p0 [sflag:s0], $0x2000  }
0x63: {  	s2 =	sor.u32 s7, s9;
	[sflag:s0] =	ssyncset.done @!p0 $0x0  }
0x64: {  	s16 =	sadd.s32 s1, s2;
	[sflag:s0] =	ssyncadd.s32 @!p0 $0xFFFFE000  }
0x65: {  	[tilespmem:s21], [sflag:$0x3] =	stream.linear.gather [hbm4b:s16+s5], $0x2000, $0x38;
	[tilespmem:$0x10000] =	vst v63  }
0x66: {  	s11 =	sadd.s32 s3, s2  }
0x67: {  	[tilespmem:s22], [sflag:$0x3] =	stream.linear.gather [hbm4b:s11+s5], $0x2000, $0x38;
	[tilespmem:$0x10000] =	vst v63  }
0x68: {  	_ =	swait.ge [sflag:s23], $0x2000  }
0x69: {  	[sflag:s23] =	ssyncset.done $0x0  }
0x6a: {  	[sflag:s23] =	ssyncadd.s32 $0xFFFFE000  }
0x6b: {  	_ =	swait.ge [sflag:s23], $0x2000  }
0x6c: {  	[sflag:s23] =	ssyncset.done $0x0  }
0x6d: {  	s16 =	simm.s32 $0xA070;
	[sflag:s23] =	ssyncadd.s32 $0xFFFFE000  }
0x6e: {  	v8 =	vld [tilespmem:s16+$0x0]  }
0x6f: {  	v1 =	vld [tilespmem:s16+$0xFFFFFF90]  }
0x70: {  	v4 =	vld [tilespmem:s16+$0xFFFFFFC0]  }
0x71: {  	v5 =	vld [tilespmem:s16+$0xFFFFFFD0]  }
0x72: {  	v6 =	vld [tilespmem:s16+$0xFFFFFFE0];
	_ =	sdelay $0x1  }
0x73: {  	v2 =	vld [tilespmem:s16+$0xFFFFFFA0]  }
0x74: {  	v3 =	vld [tilespmem:s16+$0xFFFFFFB0];
	vm0 =	veq.s32 v8, $0x3  }
0x75: {  	vm1 =	veq.s32 v1, $0x3;
	vm2 =	veq.s32 v8, $0x2;
	vm3 =	veq.s32 v8, $0x1  }
0x76: {  	vm4 =	veq.s32 v4, $0x2;
	vm5 =	veq.s32 v5, $0x2;
	vm6 =	veq.s32 v6, $0x2  }
0x77: {  	s11 =	simm.s32 $0x2070;
	vm13 =	veq.s32 v4, $0x1;
	vm14 =	veq.s32 v5, $0x1;
	vm15 =	veq.s32 v6, $0x1  }
0x78: {  	v9 =	vld [tilespmem:s11+$0x0];
	v7 =	vsel vm0, $0x3B03126F, v0;
	vm0 =	veq.s32 v2, $0x3;
	v11 =	vsel vm1, $0x3B03126F, v0  }
0x79: {  	vm1 =	veq.s32 v4, $0x3;
	v10 =	vsel vm2, $0x3A83126F, v7;
	vm2 =	veq.s32 v3, $0x3  }
0x7a: {  	v12 =	vsel vm0, $0x3B03126F, v0;
	vm0 =	veq.s32 v1, $0x2;
	v13 =	vsel vm1, $0x3B03126F, v0  }
0x7b: {  	vm1 =	veq.s32 v5, $0x3;
	v10 =	vsel vm3, $0x3B449BA6, v10;
	vm3 =	veq.s32 v8, $0x0  }
0x7c: {  	v7 =	vld [tilespmem:s16+$0xFFFFFFF0];
	v14 =	vsel vm1, $0x3B03126F, v0;
	vm1 =	veq.s32 v6, $0x3;
	v18 =	vsel vm0, $0x3A83126F, v11  }
0x7d: {  	v22 =	vsel vm4, $0x3A83126F, v13;
	v15 =	vsel vm3, v9, v10;
	v10 =	vsel vm2, $0x3B03126F, v0  }
0x7e: {  	v8 =	vld [tilespmem:s11+$0xFFFFFFA0];
	vm2 =	veq.s32 v2, $0x2;
	vm3 =	veq.s32 v3, $0x2;
	v16 =	vsel vm1, $0x3B03126F, v0  }
0x7f: {  	v11 =	vld [tilespmem:s11+$0xFFFFFFD0];
	v23 =	vsel vm5, $0x3A83126F, v14;
	v19 =	vsel vm2, $0x3A83126F, v12;
	v20 =	vsel vm3, $0x3A83126F, v10  }
0x80: {  	v13 =	vld [tilespmem:s11+$0xFFFFFFF0];
	v16 =	vsel vm6, $0x3A83126F, v16;
	vm2 =	veq.s32 v2, $0x1;
	vm3 =	veq.s32 v3, $0x1  }
0x81: {  	v9 =	vld [tilespmem:s11+$0xFFFFFFB0];
	v19 =	vsel vm2, $0x3B449BA6, v19;
	v16 =	vsel vm15, $0x3B449BA6, v16;
	vm1 =	veq.s32 v7, $0x3  }
0x82: {  	[tilespmem:s11+$0x0] =	vst v15;
	v15 =	vld [tilespmem:s11+$0xFFFFFF90];
	vm0 =	veq.s32 v7, $0x2;
	v17 =	vsel vm1, $0x3B03126F, v0;
	vm1 =	veq.s32 v1, $0x1  }
0x83: {  	v10 =	vld [tilespmem:s11+$0xFFFFFFC0];
	v14 =	vsel vm0, $0x3A83126F, v17;
	vm0 =	veq.s32 v7, $0x1;
	v21 =	vsel vm1, $0x3B449BA6, v18  }
0x84: {  	s2 =	simm.s32 $0x2070;
	s0 =	simm.s32 $0xA0F0;
	s16 =	simm.s32 $0x0;
	v12 =	vld [tilespmem:s11+$0xFFFFFFE0];
	v18 =	vsel vm3, $0x3B449BA6, v20;
	v20 =	vsel vm13, $0x3B449BA6, v22;
	v17 =	vsel vm14, $0x3B449BA6, v23  }
.LBB2_5:
0x85: {  	v22 =	vld [tilespmem:s0+$0x0];
	s16 =	sadd.s32 $0x8, s16;
	vm1 =	veq.s32 v1, $0x0;
	vm2 =	veq.s32 v2, $0x0;
	v14 =	vsel vm0, $0x3B449BA6, v14  }
0x86: {  	vm0 =	veq.s32 v3, $0x0;
	vm3 =	veq.s32 v4, $0x0;
	vm4 =	veq.s32 v5, $0x0;
	v1 =	vld [tilespmem:s0+$0xFFFFFF90];
	p0 =	slt.u32 s16, $0x1F8  }
0x87: {  	vm5 =	veq.s32 v7, $0x0;
	v4 =	vsel vm1, v15, v21;
	vm1 =	veq.s32 v6, $0x0;
	v2 =	vld [tilespmem:s0+$0xFFFFFFA0]  }
0x88: {  	s2 =	sadd.s32 $0x80, s2;
	v5 =	vsel vm0, v9, v18;
	v6 =	vsel vm3, v10, v20;
	v3 =	vld [tilespmem:s0+$0xFFFFFFB0];
	[tilespmem:s11+$0xFFFFFF90] =	vst v4;
	v4 =	vsel vm2, v8, v19  }
0x89: {  	v7 =	vsel vm4, v11, v17;
	v10 =	vsel vm5, v13, v14;
	v8 =	vsel vm1, v12, v16;
	v9 =	vld [tilespmem:s2+$0x0];
	[tilespmem:s11+$0xFFFFFFA0] =	vst v4  }
0x8a: {  	v4 =	vld [tilespmem:s0+$0xFFFFFFC0];
	vm0 =	veq.s32 v22, $0x3;
	[tilespmem:s11+$0xFFFFFFB0] =	vst v5  }
0x8b: {  	vm2 =	veq.s32 v22, $0x2;
	vm1 =	veq.s32 v1, $0x3;
	v5 =	vld [tilespmem:s0+$0xFFFFFFD0];
	v11 =	vsel vm0, $0x3B03126F, v0;
	[tilespmem:s11+$0xFFFFFFC0] =	vst v6  }
0x8c: {  	vm3 =	veq.s32 v22, $0x1;
	vm0 =	veq.s32 v2, $0x3;
	v6 =	vld [tilespmem:s0+$0xFFFFFFE0];
	v11 =	vsel vm2, $0x3A83126F, v11;
	[tilespmem:s11+$0xFFFFFFD0] =	vst v7  }
0x8d: {  	vm2 =	veq.s32 v3, $0x3;
	v7 =	vld [tilespmem:s0+$0xFFFFFFF0];
	v11 =	vsel vm3, $0x3B449BA6, v11;
	vm3 =	veq.s32 v22, $0x0;
	[tilespmem:s11+$0xFFFFFFE0] =	vst v8  }
0x8e: {  	v14 =	vsel vm1, $0x3B03126F, v0;
	v16 =	vsel vm0, $0x3B03126F, v0;
	v8 =	vld [tilespmem:s2+$0xFFFFFFA0];
	v11 =	vsel vm3, v9, v11;
	[tilespmem:s11+$0xFFFFFFF0] =	vst v10;
	s11 =	smov.u32 s2  }
0x8f: {  	vm0 =	veq.s32 v1, $0x2;
	v17 =	vsel vm2, $0x3B03126F, v0;
	v9 =	vld [tilespmem:s2+$0xFFFFFFB0];
	vm1 =	veq.s32 v4, $0x3;
	[tilespmem:s2+$0x0] =	vst v11  }
0x90: {  	vm2 =	veq.s32 v2, $0x2;
	v10 =	vld [tilespmem:s2+$0xFFFFFFC0];
	v18 =	vsel vm1, $0x3B03126F, v0;
	vm1 =	veq.s32 v5, $0x3  }
0x91: {  	vm3 =	veq.s32 v3, $0x2;
	v11 =	vld [tilespmem:s2+$0xFFFFFFD0];
	v19 =	vsel vm1, $0x3B03126F, v0;
	vm1 =	veq.s32 v6, $0x3  }
0x92: {  	vm4 =	veq.s32 v4, $0x2;
	v12 =	vld [tilespmem:s2+$0xFFFFFFE0];
	v20 =	vsel vm1, $0x3B03126F, v0;
	vm1 =	veq.s32 v7, $0x3  }
0x93: {  	vm5 =	veq.s32 v5, $0x2;
	vm6 =	veq.s32 v6, $0x2;
	v13 =	vld [tilespmem:s2+$0xFFFFFFF0];
	v21 =	vsel vm1, $0x3B03126F, v0  }
0x94: {  	v22 =	vsel vm0, $0x3A83126F, v14;
	v16 =	vsel vm2, $0x3A83126F, v16;
	vm0 =	veq.s32 v7, $0x2;
	v15 =	vld [tilespmem:s2+$0xFFFFFF90]  }
0x95: {  	v17 =	vsel vm3, $0x3A83126F, v17;
	v23 =	vsel vm4, $0x3A83126F, v18;
	v24 =	vsel vm5, $0x3A83126F, v19  }
.Ltmp3:
0x96: {  	vm1 =	veq.s32 v1, $0x1;
	v25 =	vsel vm6, $0x3A83126F, v20;
	v14 =	vsel vm0, $0x3A83126F, v21;
	(pc) =	sbr.rel @p0 .LBB2_5-.Ltmp3, $4  }
0x97: {  	vm2 =	veq.s32 v2, $0x1;
	vm3 =	veq.s32 v3, $0x1;
	vm4 =	veq.s32 v4, $0x1  }
0x98: {  	vm5 =	veq.s32 v5, $0x1;
	vm6 =	veq.s32 v6, $0x1;
	vm0 =	veq.s32 v7, $0x1  }
0x99: {  	v18 =	vsel vm3, $0x3B449BA6, v17;
	v19 =	vsel vm2, $0x3B449BA6, v16;
	v21 =	vsel vm1, $0x3B449BA6, v22  }
0x9a: {  	s0 =	sadd.s32 $0x80, s0;
	v20 =	vsel vm4, $0x3B449BA6, v23;
	v17 =	vsel vm5, $0x3B449BA6, v24;
	v16 =	vsel vm6, $0x3B449BA6, v25  }
0x9b: {  	vm1 =	veq.s32 v1, $0x0  }
0x9c: {  	vm2 =	veq.s32 v2, $0x0;
	v1 =	vsel vm1, v15, v21  }
0x9d: {  	vm1 =	veq.s32 v3, $0x0;
	[tilespmem:s11+$0xFFFFFF90] =	vst v1;
	v1 =	vsel vm2, v8, v19  }
0x9e: {  	vm2 =	veq.s32 v4, $0x0;
	v2 =	vsel vm1, v9, v18;
	[tilespmem:s11+$0xFFFFFFA0] =	vst v1  }
0x9f: {  	vm1 =	veq.s32 v5, $0x0;
	v1 =	vsel vm2, v10, v20;
	[tilespmem:s11+$0xFFFFFFB0] =	vst v2  }
0xa0: {  	vm2 =	veq.s32 v6, $0x0;
	v2 =	vsel vm1, v11, v17;
	[tilespmem:s11+$0xFFFFFFC0] =	vst v1  }
0xa1: {  	v1 =	vsel vm0, $0x3B449BA6, v14;
	vm0 =	veq.s32 v7, $0x0;
	v3 =	vsel vm2, v12, v16;
	[tilespmem:s11+$0xFFFFFFD0] =	vst v2  }
0xa2: {  	v1 =	vsel vm0, v13, v1;
	[tilespmem:s11+$0xFFFFFFE0] =	vst v3  }
0xa3: {  	s0 =	sadd.s32 s10, s12;
	s2 =	simm.s32 $0x0;
	[tilespmem:s11+$0xFFFFFFF0] =	vst v1  }
0xa4: {  	[hbm4b:s0+s2] =	stream.linear.scatter [tilespmem:s18], [sflag:$0x6], $0x2000, $0x38;
	[tilespmem:$0x10000] =	vst v63  }
0xa5: {  	s10 =	sor.u32 $0xC00, s8;
	_ =	swait.ge [sflag:s24], $0x2000  }
0xa6: {  	s0 =	sor.u32 s7, s10;
	[sflag:s24] =	ssyncset.done $0x0  }
0xa7: {  	s16 =	sadd.s32 s1, s0;
	[sflag:s24] =	ssyncadd.s32 $0xFFFFE000  }
0xa8: {  	[tilespmem:s25], [sflag:$0x4] =	stream.linear.gather [hbm4b:s16+s2], $0x2000, $0x38;
	[tilespmem:$0x10000] =	vst v63  }
0xa9: {  	s0 =	sadd.s32 s3, s0  }
0xaa: {  	[tilespmem:s26], [sflag:$0x4] =	stream.linear.gather [hbm4b:s0+s2], $0x2000, $0x38;
	[tilespmem:$0x10000] =	vst v63  }
0xab: {  	_ =	swait.ge [sflag:s28], $0x2000  }
0xac: {  	[sflag:s28] =	ssyncset.done $0x0  }
0xad: {  	[sflag:s28] =	ssyncadd.s32 $0xFFFFE000  }
0xae: {  	_ =	swait.ge [sflag:s28], $0x2000  }
0xaf: {  	[sflag:s28] =	ssyncset.done $0x0  }
0xb0: {  	s11 =	simm.s32 $0x0;
	[sflag:s28] =	ssyncadd.s32 $0xFFFFE000  }
0xb1: {  	v8 =	vld [tilespmem:s11+$0xC070]  }
0xb2: {  	v1 =	vld [tilespmem:s11+$0xC000]  }
0xb3: {  	v2 =	vld [tilespmem:s11+$0xC010]  }
0xb4: {  	v4 =	vld [tilespmem:s11+$0xC030]  }
0xb5: {  	v5 =	vld [tilespmem:s11+$0xC040]  }
0xb6: {  	v6 =	vld [tilespmem:s11+$0xC050]  }
0xb7: {  	v3 =	vld [tilespmem:s11+$0xC020];
	_ =	sdelay $0x1  }
0xb8: {  	vm0 =	veq.s32 v8, $0x3  }
0xb9: {  	vm1 =	veq.s32 v1, $0x3;
	vm2 =	veq.s32 v8, $0x2;
	vm3 =	veq.s32 v8, $0x1  }
0xba: {  	vm4 =	veq.s32 v4, $0x2;
	vm5 =	veq.s32 v5, $0x2;
	vm6 =	veq.s32 v6, $0x2  }
0xbb: {  	vm15 =	veq.s32 v3, $0x1;
	v7 =	vsel vm0, $0x3B03126F, v0;
	vm0 =	veq.s32 v2, $0x3  }
0xbc: {  	v9 =	vld [tilespmem:s11+$0x4070];
	v11 =	vsel vm1, $0x3B03126F, v0;
	vm1 =	veq.s32 v4, $0x3;
	v10 =	vsel vm2, $0x3A83126F, v7  }
0xbd: {  	vm2 =	veq.s32 v3, $0x3;
	v12 =	vsel vm0, $0x3B03126F, v0;
	vm0 =	veq.s32 v1, $0x2  }
0xbe: {  	v15 =	vsel vm1, $0x3B03126F, v0;
	vm1 =	veq.s32 v5, $0x3;
	v10 =	vsel vm3, $0x3B449BA6, v10  }
0xbf: {  	vm3 =	veq.s32 v8, $0x0;
	v13 =	vsel vm2, $0x3B03126F, v0;
	vm2 =	veq.s32 v2, $0x2  }
0xc0: {  	v7 =	vld [tilespmem:s11+$0xC060];
	v16 =	vsel vm1, $0x3B03126F, v0;
	vm1 =	veq.s32 v6, $0x3;
	v20 =	vsel vm0, $0x3A83126F, v11  }
0xc1: {  	v8 =	vld [tilespmem:s11+$0x4000];
	v18 =	vsel vm4, $0x3A83126F, v15;
	vm4 =	veq.s32 v1, $0x1;
	v14 =	vsel vm3, v9, v10  }
0xc2: {  	v11 =	vld [tilespmem:s11+$0x4030];
	vm3 =	veq.s32 v3, $0x2;
	v17 =	vsel vm1, $0x3B03126F, v0;
	v22 =	vsel vm2, $0x3A83126F, v12  }
0xc3: {  	v9 =	vld [tilespmem:s11+$0x4010];
	v16 =	vsel vm5, $0x3A83126F, v16;
	vm5 =	veq.s32 v2, $0x1;
	vm2 =	veq.s32 v5, $0x1  }
0xc4: {  	v10 =	vld [tilespmem:s11+$0x4020];
	v21 =	vsel vm4, $0x3B449BA6, v20;
	v23 =	vsel vm3, $0x3A83126F, v13;
	v17 =	vsel vm6, $0x3A83126F, v17  }
0xc5: {  	v12 =	vld [tilespmem:s11+$0x4040];
	vm3 =	veq.s32 v4, $0x1;
	v20 =	vsel vm5, $0x3B449BA6, v22;
	vm1 =	veq.s32 v7, $0x3  }
0xc6: {  	s0 =	simm.s32 $0x200;
	v13 =	vld [tilespmem:s11+$0x4050];
	vm0 =	veq.s32 v7, $0x2;
	v19 =	vsel vm1, $0x3B03126F, v0;
	vm1 =	veq.s32 v6, $0x1  }
0xc7: {  	s16 =	simm.s32 $0x0;
	[tilespmem:s11+$0x4070] =	vst v14;
	v14 =	vld [tilespmem:s11+$0x4060];
	v15 =	vsel vm0, $0x3A83126F, v19;
	vm0 =	veq.s32 v7, $0x1;
	v19 =	vsel vm15, $0x3B449BA6, v23  }
.LBB2_7:
0xc8: {  	s2 =	sshra.s32 s0, $0x2;
	s16 =	sadd.s32 $0x8, s16;
	v18 =	vsel vm3, $0x3B449BA6, v18;
	v16 =	vsel vm2, $0x3B449BA6, v16;
	v17 =	vsel vm1, $0x3B449BA6, v17  }
0xc9: {  	vm1 =	veq.s32 v1, $0x0;
	vm2 =	veq.s32 v2, $0x0;
	v15 =	vsel vm0, $0x3B449BA6, v15;
	v22 =	vld [tilespmem:s2+$0xC070];
	p0 =	slt.u32 s16, $0x1F8  }
0xca: {  	vm0 =	veq.s32 v3, $0x0;
	vm3 =	veq.s32 v4, $0x0;
	vm4 =	veq.s32 v5, $0x0;
	v1 =	vld [tilespmem:s2+$0xC000]  }
0xcb: {  	vm5 =	veq.s32 v7, $0x0;
	v4 =	vsel vm1, v8, v21;
	vm1 =	veq.s32 v6, $0x0;
	v2 =	vld [tilespmem:s2+$0xC010]  }
0xcc: {  	v5 =	vsel vm0, v10, v19;
	v6 =	vsel vm3, v11, v18;
	v3 =	vld [tilespmem:s2+$0xC020];
	[tilespmem:s11+$0x4000] =	vst v4;
	v4 =	vsel vm2, v9, v20  }
0xcd: {  	v7 =	vsel vm4, v12, v16;
	v10 =	vsel vm5, v14, v15;
	v8 =	vsel vm1, v13, v17;
	v9 =	vld [tilespmem:s2+$0x4070];
	[tilespmem:s11+$0x4010] =	vst v4  }
0xce: {  	v4 =	vld [tilespmem:s2+$0xC030];
	vm0 =	veq.s32 v22, $0x3;
	[tilespmem:s11+$0x4020] =	vst v5  }
0xcf: {  	vm2 =	veq.s32 v22, $0x2;
	vm1 =	veq.s32 v1, $0x3;
	v5 =	vld [tilespmem:s2+$0xC040];
	v11 =	vsel vm0, $0x3B03126F, v0;
	[tilespmem:s11+$0x4030] =	vst v6  }
0xd0: {  	vm3 =	veq.s32 v22, $0x1;
	vm0 =	veq.s32 v2, $0x3;
	v6 =	vld [tilespmem:s2+$0xC050];
	v11 =	vsel vm2, $0x3A83126F, v11;
	[tilespmem:s11+$0x4040] =	vst v7  }
0xd1: {  	vm2 =	veq.s32 v3, $0x3;
	v7 =	vld [tilespmem:s2+$0xC060];
	v11 =	vsel vm3, $0x3B449BA6, v11;
	vm3 =	veq.s32 v22, $0x0;
	[tilespmem:s11+$0x4050] =	vst v8  }
0xd2: {  	v14 =	vsel vm1, $0x3B03126F, v0;
	v15 =	vsel vm0, $0x3B03126F, v0;
	v8 =	vld [tilespmem:s2+$0x4000];
	v11 =	vsel vm3, v9, v11;
	[tilespmem:s11+$0x4060] =	vst v10;
	s11 =	smov.u32 s2  }
0xd3: {  	vm0 =	veq.s32 v1, $0x2;
	v16 =	vsel vm2, $0x3B03126F, v0;
	v9 =	vld [tilespmem:s11+$0x4010];
	vm1 =	veq.s32 v4, $0x3;
	[tilespmem:s11+$0x4070] =	vst v11  }
0xd4: {  	vm2 =	veq.s32 v2, $0x2;
	v10 =	vld [tilespmem:s11+$0x4020];
	v17 =	vsel vm1, $0x3B03126F, v0;
	vm1 =	veq.s32 v5, $0x3  }
0xd5: {  	vm3 =	veq.s32 v3, $0x2;
	v11 =	vld [tilespmem:s11+$0x4030];
	v19 =	vsel vm1, $0x3B03126F, v0;
	vm1 =	veq.s32 v6, $0x3  }
0xd6: {  	vm4 =	veq.s32 v4, $0x2;
	v12 =	vld [tilespmem:s11+$0x4040];
	v20 =	vsel vm1, $0x3B03126F, v0;
	vm1 =	veq.s32 v7, $0x3  }
0xd7: {  	vm5 =	veq.s32 v5, $0x2;
	vm6 =	veq.s32 v6, $0x2;
	v13 =	vld [tilespmem:s11+$0x4050];
	v21 =	vsel vm1, $0x3B03126F, v0  }
0xd8: {  	v22 =	vsel vm0, $0x3A83126F, v14;
	v23 =	vsel vm2, $0x3A83126F, v15;
	vm0 =	veq.s32 v7, $0x2;
	v14 =	vld [tilespmem:s11+$0x4060]  }
.Ltmp4:
0xd9: {  	v24 =	vsel vm3, $0x3A83126F, v16;
	v18 =	vsel vm4, $0x3A83126F, v17;
	v16 =	vsel vm5, $0x3A83126F, v19;
	(pc) =	sbr.rel @p0 .LBB2_7-.Ltmp4, $4  }
0xda: {  	vm4 =	veq.s32 v1, $0x1;
	v17 =	vsel vm6, $0x3A83126F, v20;
	v15 =	vsel vm0, $0x3A83126F, v21  }
0xdb: {  	vm3 =	veq.s32 v4, $0x1;
	vm5 =	veq.s32 v2, $0x1;
	vm6 =	veq.s32 v3, $0x1  }
0xdc: {  	vm2 =	veq.s32 v5, $0x1;
	vm1 =	veq.s32 v6, $0x1;
	vm0 =	veq.s32 v7, $0x1  }
0xdd: {  	s0 =	sadd.s32 $0x200, s0;
	v20 =	vsel vm5, $0x3B449BA6, v23;
	v21 =	vsel vm4, $0x3B449BA6, v22;
	v19 =	vsel vm6, $0x3B449BA6, v24  }
0xde: {  	vm4 =	veq.s32 v1, $0x0;
	vm5 =	veq.s32 v2, $0x0  }
0xdf: {  	v2 =	vsel vm3, $0x3B449BA6, v18;
	vm3 =	veq.s32 v4, $0x0;
	v1 =	vsel vm4, v8, v21  }
0xe0: {  	v2 =	vsel vm3, v11, v2;
	[tilespmem:s11+$0x4000] =	vst v1  }
0xe1: {  	vm4 =	veq.s32 v3, $0x0;
	v1 =	vsel vm5, v9, v20;
	[tilespmem:s11+$0x4030] =	vst v2  }
0xe2: {  	v3 =	vsel vm4, v10, v19;
	[tilespmem:s11+$0x4010] =	vst v1;
	v1 =	vsel vm2, $0x3B449BA6, v16;
	vm2 =	veq.s32 v5, $0x0  }
0xe3: {  	[tilespmem:s11+$0x4020] =	vst v3;
	v3 =	vsel vm1, $0x3B449BA6, v17;
	vm1 =	veq.s32 v6, $0x0;
	v1 =	vsel vm2, v12, v1  }
0xe4: {  	v2 =	vsel vm0, $0x3B449BA6, v15;
	vm0 =	veq.s32 v7, $0x0;
	v3 =	vsel vm1, v13, v3;
	[tilespmem:s11+$0x4040] =	vst v1  }
0xe5: {  	v1 =	vsel vm0, v14, v2;
	[tilespmem:s11+$0x4050] =	vst v3  }
0xe6: {  	s0 =	sadd.s32 s9, s13;
	[tilespmem:s11+$0x4060] =	vst v1  }
0xe7: {  	[hbm4b:s0+s5] =	stream.linear.scatter [tilespmem:s21], [sflag:$0x7], $0x2000, $0x38;
	[tilespmem:$0x10000] =	vst v63  }
0xe8: {  	p0 =	seq.s32 s17, $0x7;
	_ =	swait.ge [sflag:s29], $0x2000  }
0xe9: {  	s0 =	sadd.s32 @!p0 s8, s14;
	[sflag:s29] =	ssyncset.done $0x0  }
0xea: {  	s9 =	simm.s32 @!p0 $0x0;
	s2 =	sadd.s32 @!p0 s1, s0;
	[sflag:s29] =	ssyncadd.s32 $0xFFFFE000  }
0xeb: {  	[tilespmem:s9], [sflag:$0x1] =	stream.linear.gather @!p0 [hbm4b:s2+s9], $0x2000, $0x38;
	[tilespmem:$0x10000] =	vst v63  }
0xec: {  	s0 =	sadd.s32 @!p0 s3, s0;
	s2 =	simm.s32 @!p0 $0x8000  }
0xed: {  	[tilespmem:s2], [sflag:$0x1] =	stream.linear.gather @!p0 [hbm4b:s0+s9], $0x2000, $0x38;
	[tilespmem:$0x10000] =	vst v63  }
0xee: {  	_ =	swait.ge [sflag:s30], $0x2000  }
0xef: {  	[sflag:s30] =	ssyncset.done $0x0  }
0xf0: {  	[sflag:s30] =	ssyncadd.s32 $0xFFFFE000  }
0xf1: {  	_ =	swait.ge [sflag:s30], $0x2000  }
0xf2: {  	[sflag:s30] =	ssyncset.done $0x0  }
0xf3: {  	s9 =	simm.s32 $0x0;
	[sflag:s30] =	ssyncadd.s32 $0xFFFFE000  }
0xf4: {  	v8 =	vld [tilespmem:s9+$0xE070]  }
0xf5: {  	v1 =	vld [tilespmem:s9+$0xE000]  }
0xf6: {  	v2 =	vld [tilespmem:s9+$0xE010]  }
0xf7: {  	v4 =	vld [tilespmem:s9+$0xE030]  }
0xf8: {  	v5 =	vld [tilespmem:s9+$0xE040]  }
0xf9: {  	v6 =	vld [tilespmem:s9+$0xE050]  }
0xfa: {  	v3 =	vld [tilespmem:s9+$0xE020];
	_ =	sdelay $0x1  }
0xfb: {  	vm0 =	veq.s32 v8, $0x3  }
0xfc: {  	vm1 =	veq.s32 v1, $0x3;
	vm2 =	veq.s32 v8, $0x2;
	vm3 =	veq.s32 v8, $0x1  }
0xfd: {  	vm4 =	veq.s32 v4, $0x2;
	vm5 =	veq.s32 v5, $0x2;
	vm6 =	veq.s32 v6, $0x2  }
0xfe: {  	vm15 =	veq.s32 v3, $0x1;
	v7 =	vsel vm0, $0x3B03126F, v0;
	vm0 =	veq.s32 v2, $0x3  }
0xff: {  	v9 =	vld [tilespmem:s9+$0x6070];
	v11 =	vsel vm1, $0x3B03126F, v0;
	vm1 =	veq.s32 v4, $0x3;
	v10 =	vsel vm2, $0x3A83126F, v7  }
0x100: {  	vm2 =	veq.s32 v3, $0x3;
	v12 =	vsel vm0, $0x3B03126F, v0;
	vm0 =	veq.s32 v1, $0x2  }
0x101: {  	v15 =	vsel vm1, $0x3B03126F, v0;
	vm1 =	veq.s32 v5, $0x3;
	v10 =	vsel vm3, $0x3B449BA6, v10  }
0x102: {  	vm3 =	veq.s32 v8, $0x0;
	v13 =	vsel vm2, $0x3B03126F, v0;
	vm2 =	veq.s32 v2, $0x2  }
0x103: {  	v7 =	vld [tilespmem:s9+$0xE060];
	v16 =	vsel vm1, $0x3B03126F, v0;
	vm1 =	veq.s32 v6, $0x3;
	v20 =	vsel vm0, $0x3A83126F, v11  }
0x104: {  	v8 =	vld [tilespmem:s9+$0x6000];
	v18 =	vsel vm4, $0x3A83126F, v15;
	vm4 =	veq.s32 v1, $0x1;
	v14 =	vsel vm3, v9, v10  }
0x105: {  	v11 =	vld [tilespmem:s9+$0x6030];
	vm3 =	veq.s32 v3, $0x2;
	v17 =	vsel vm1, $0x3B03126F, v0;
	v22 =	vsel vm2, $0x3A83126F, v12  }
0x106: {  	v9 =	vld [tilespmem:s9+$0x6010];
	v16 =	vsel vm5, $0x3A83126F, v16;
	vm5 =	veq.s32 v2, $0x1;
	vm2 =	veq.s32 v5, $0x1  }
0x107: {  	v10 =	vld [tilespmem:s9+$0x6020];
	v21 =	vsel vm4, $0x3B449BA6, v20;
	v23 =	vsel vm3, $0x3A83126F, v13;
	v17 =	vsel vm6, $0x3A83126F, v17  }
0x108: {  	v12 =	vld [tilespmem:s9+$0x6040];
	vm3 =	veq.s32 v4, $0x1;
	v20 =	vsel vm5, $0x3B449BA6, v22;
	vm1 =	veq.s32 v7, $0x3  }
0x109: {  	s0 =	simm.s32 $0x200;
	v13 =	vld [tilespmem:s9+$0x6050];
	vm0 =	veq.s32 v7, $0x2;
	v19 =	vsel vm1, $0x3B03126F, v0;
	vm1 =	veq.s32 v6, $0x1  }
0x10a: {  	s11 =	simm.s32 $0x0;
	[tilespmem:s9+$0x6070] =	vst v14;
	v14 =	vld [tilespmem:s9+$0x6060];
	v15 =	vsel vm0, $0x3A83126F, v19;
	vm0 =	veq.s32 v7, $0x1;
	v19 =	vsel vm15, $0x3B449BA6, v23  }
.LBB2_9:
0x10b: {  	s2 =	sshra.s32 s0, $0x2;
	s11 =	sadd.s32 $0x8, s11;
	v18 =	vsel vm3, $0x3B449BA6, v18;
	v16 =	vsel vm2, $0x3B449BA6, v16;
	v17 =	vsel vm1, $0x3B449BA6, v17  }
0x10c: {  	vm1 =	veq.s32 v1, $0x0;
	vm2 =	veq.s32 v2, $0x0;
	v15 =	vsel vm0, $0x3B449BA6, v15;
	v22 =	vld [tilespmem:s2+$0xE070];
	p1 =	slt.u32 s11, $0x1F8  }
0x10d: {  	vm0 =	veq.s32 v3, $0x0;
	vm3 =	veq.s32 v4, $0x0;
	vm4 =	veq.s32 v5, $0x0;
	v1 =	vld [tilespmem:s2+$0xE000]  }
0x10e: {  	vm5 =	veq.s32 v7, $0x0;
	v4 =	vsel vm1, v8, v21;
	vm1 =	veq.s32 v6, $0x0;
	v2 =	vld [tilespmem:s2+$0xE010]  }
0x10f: {  	v5 =	vsel vm0, v10, v19;
	v6 =	vsel vm3, v11, v18;
	v3 =	vld [tilespmem:s2+$0xE020];
	[tilespmem:s9+$0x6000] =	vst v4;
	v4 =	vsel vm2, v9, v20  }
0x110: {  	v7 =	vsel vm4, v12, v16;
	v10 =	vsel vm5, v14, v15;
	v8 =	vsel vm1, v13, v17;
	v9 =	vld [tilespmem:s2+$0x6070];
	[tilespmem:s9+$0x6010] =	vst v4  }
0x111: {  	v4 =	vld [tilespmem:s2+$0xE030];
	vm0 =	veq.s32 v22, $0x3;
	[tilespmem:s9+$0x6020] =	vst v5  }
0x112: {  	vm2 =	veq.s32 v22, $0x2;
	vm1 =	veq.s32 v1, $0x3;
	v5 =	vld [tilespmem:s2+$0xE040];
	v11 =	vsel vm0, $0x3B03126F, v0;
	[tilespmem:s9+$0x6030] =	vst v6  }
0x113: {  	vm3 =	veq.s32 v22, $0x1;
	vm0 =	veq.s32 v2, $0x3;
	v6 =	vld [tilespmem:s2+$0xE050];
	v11 =	vsel vm2, $0x3A83126F, v11;
	[tilespmem:s9+$0x6040] =	vst v7  }
0x114: {  	vm2 =	veq.s32 v3, $0x3;
	v7 =	vld [tilespmem:s2+$0xE060];
	v11 =	vsel vm3, $0x3B449BA6, v11;
	vm3 =	veq.s32 v22, $0x0;
	[tilespmem:s9+$0x6050] =	vst v8  }
0x115: {  	v14 =	vsel vm1, $0x3B03126F, v0;
	v15 =	vsel vm0, $0x3B03126F, v0;
	v8 =	vld [tilespmem:s2+$0x6000];
	v11 =	vsel vm3, v9, v11;
	[tilespmem:s9+$0x6060] =	vst v10;
	s9 =	smov.u32 s2  }
0x116: {  	vm0 =	veq.s32 v1, $0x2;
	v16 =	vsel vm2, $0x3B03126F, v0;
	v9 =	vld [tilespmem:s9+$0x6010];
	vm1 =	veq.s32 v4, $0x3;
	[tilespmem:s9+$0x6070] =	vst v11  }
0x117: {  	vm2 =	veq.s32 v2, $0x2;
	v10 =	vld [tilespmem:s9+$0x6020];
	v17 =	vsel vm1, $0x3B03126F, v0;
	vm1 =	veq.s32 v5, $0x3  }
0x118: {  	vm3 =	veq.s32 v3, $0x2;
	v11 =	vld [tilespmem:s9+$0x6030];
	v19 =	vsel vm1, $0x3B03126F, v0;
	vm1 =	veq.s32 v6, $0x3  }
0x119: {  	vm4 =	veq.s32 v4, $0x2;
	v12 =	vld [tilespmem:s9+$0x6040];
	v20 =	vsel vm1, $0x3B03126F, v0;
	vm1 =	veq.s32 v7, $0x3  }
0x11a: {  	vm5 =	veq.s32 v5, $0x2;
	vm6 =	veq.s32 v6, $0x2;
	v13 =	vld [tilespmem:s9+$0x6050];
	v21 =	vsel vm1, $0x3B03126F, v0  }
0x11b: {  	v22 =	vsel vm0, $0x3A83126F, v14;
	v23 =	vsel vm2, $0x3A83126F, v15;
	vm0 =	veq.s32 v7, $0x2;
	v14 =	vld [tilespmem:s9+$0x6060]  }
.Ltmp5:
0x11c: {  	v24 =	vsel vm3, $0x3A83126F, v16;
	v18 =	vsel vm4, $0x3A83126F, v17;
	v16 =	vsel vm5, $0x3A83126F, v19;
	(pc) =	sbr.rel @p1 .LBB2_9-.Ltmp5, $4  }
0x11d: {  	vm4 =	veq.s32 v1, $0x1;
	v17 =	vsel vm6, $0x3A83126F, v20;
	v15 =	vsel vm0, $0x3A83126F, v21  }
0x11e: {  	vm3 =	veq.s32 v4, $0x1;
	vm5 =	veq.s32 v2, $0x1;
	vm6 =	veq.s32 v3, $0x1  }
0x11f: {  	vm2 =	veq.s32 v5, $0x1;
	vm1 =	veq.s32 v6, $0x1;
	vm0 =	veq.s32 v7, $0x1  }
0x120: {  	s0 =	sadd.s32 $0x200, s0;
	v20 =	vsel vm5, $0x3B449BA6, v23;
	v21 =	vsel vm4, $0x3B449BA6, v22;
	v19 =	vsel vm6, $0x3B449BA6, v24  }
0x121: {  	vm4 =	veq.s32 v1, $0x0  }
0x122: {  	vm5 =	veq.s32 v2, $0x0;
	vm11 =	veq.s32 v3, $0x0;
	v1 =	vsel vm4, v8, v21  }
0x123: {  	v2 =	vsel vm3, $0x3B449BA6, v18;
	vm12 =	veq.s32 v4, $0x0;
	v3 =	vsel vm11, v10, v19;
	[tilespmem:s9+$0x6000] =	vst v1  }
0x124: {  	v2 =	vsel vm12, v11, v2;
	[tilespmem:s9+$0x6020] =	vst v3  }
0x125: {  	vm14 =	veq.s32 v6, $0x0;
	v1 =	vsel vm5, v9, v20;
	v3 =	vsel vm1, $0x3B449BA6, v17;
	[tilespmem:s9+$0x6030] =	vst v2  }
0x126: {  	vm13 =	veq.s32 v5, $0x0;
	[tilespmem:s9+$0x6010] =	vst v1;
	v1 =	vsel vm2, $0x3B449BA6, v16;
	v3 =	vsel vm14, v13, v3  }
0x127: {  	vm15 =	veq.s32 v7, $0x0;
	v2 =	vsel vm0, $0x3B449BA6, v15;
	v1 =	vsel vm13, v12, v1;
	[tilespmem:s9+$0x6050] =	vst v3  }
0x128: {  	[tilespmem:s9+$0x6040] =	vst v1;
	v1 =	vsel vm15, v14, v2  }
.Ltmp6:
0x129: {  	s0 =	sadd.s32 s10, s13;
	[tilespmem:s9+$0x6060] =	vst v1;
	(pc) =	sbr.rel @p0 .LBB2_12-.Ltmp6, $4  }
0x12a: {  	[hbm4b:s0+s5] =	stream.linear.scatter [tilespmem:s25], [sflag:$0x8], $0x2000, $0x38;
	[tilespmem:$0x10000] =	vst v63  }
0x12b: {  	_ =	swait.ge [sflag:s31], $0x2000  }
0x12c: {  	[sflag:s31] =	ssyncset.done $0x0  }
0x12d: {  	[sflag:s31] =	ssyncadd.s32 $0xFFFFE000  }
.Ltmp7:
0x12e: {  	s0 =	sadd.s32 s8, s15;
	(pc) =	sbr.rel .LBB2_2-.Ltmp7, $4  }
0x12f: {  	s2 =	sadd.s32 s1, s0  }
0x130: {  	[tilespmem:s18], [sflag:$0x2] =	stream.linear.gather [hbm4b:s2+s5], $0x2000, $0x38;
	[tilespmem:$0x10000] =	vst v63  }
0x131: {  	s17 =	sadd.s32 $0x1, s17;
	s0 =	sadd.s32 s3, s0  }
0x132: {  	[tilespmem:s19], [sflag:$0x2] =	stream.linear.gather [hbm4b:s0+s5], $0x2000, $0x38;
	[tilespmem:$0x10000] =	vst v63  }
.LBB2_13:
0x133: {  	_ =	sfence.sel $0x180000  }
0x134: {  	[bflag:$0x0] =	sbarrier.arrive $0xFFFF  }
0x135: {  	_ =	strace $0x90000047  }
0x136: {  	s0 =	stileid.u32;
	[bflag:$0x2] =	sbarrier.arrive $0xFFFF  }
0x137: {  	p0 =	sne.s32 s0, $0x0;
	s0 =	rddreg [dreg:$0x3]  }
0x138: {  	s0 =	sadd.s32 @!p0 $0x100000, s0  }
0x139: {  	[sflag:s0] =	ssyncadd.tile.s32 @!p0 $0x1;
	_ =	shalt  }
.Lfunc_end2:
_tile_overlayer_lowered:
.L_overlay_start_2:
0x13a: {  	(tag) =	ssettag $0x2  }
0x13b: {  	s0 =	rddreg [dreg:$0x0];
	s2 =	stileid.u32  }
0x13c: {  	s1 =	rddreg [dreg:$0x1];
	p0 =	sne.s32 s2, $0x0  }
0x13d: {  	s3 =	rddreg [dreg:$0x2];
	[bflag:$0x3] =	sbarrier.arrive $0xFFFF;
	s2 =	simm.s32 @!p0 $0x1C09  }
0x13e: {  	[timem:s3], [sflag:s2] =	dma.local @!p0 [hbm:s0], s1  }
0x13f: {  	s0 =	simm.s32 @!p0 $0x9  }
0x140: {  	_ =	swait.ge @!p0 [sflag:s0], s1  }
0x141: {  	s1 =	ssub.s32 @!p0 $0x0, s1;
	[sflag:s0] =	ssyncset.done @!p0 $0x0  }
0x142: {  	[sflag:s0] =	ssyncadd.s32 @!p0 s1  }
0x143: {  	[bflag:$0x3] =	sbarrier.arrive $0xFFFF  }
0x144: {  	_ =	shalt  }

</sc_bundles>
